<compile_context>
chip_gen: v7x
topology: tpu7x:2x2x1
jax: 0.10.2.dev20260603
libtpu: 0.0.44.dev20260713+nightly
codegen_flags: <defaults>
</compile_context>

<pallas_src>
import functools

import jax
import jax.numpy as jnp
from jax import lax
from jax.experimental import pallas as pl
from jax.experimental.pallas import tpu as pltpu
from jax.experimental.pallas import tpu_sc as plsc

_B = 128
_V = 100000
_HIST = 32
_PEN = 1.2
_ROWS = 8
_GRID = _B // _ROWS
_K = 5
_LANES = 16


def _sc_penalize(scores, token_ids):
    nrows = scores.shape[0]
    info = plsc.get_sparse_core_info()
    num_workers = info.num_cores * info.num_subcores
    rows_per_w = nrows // num_workers
    mesh = plsc.VectorSubcoreMesh(core_axis_name="c", subcore_axis_name="s")

    @functools.partial(
        pl.kernel,
        mesh=mesh,
        out_type=jax.ShapeDtypeStruct((nrows, _V), jnp.float32),
        scratch_types=[
            pltpu.VMEM((_V,), jnp.float32),
            pltpu.VMEM((_HIST,), jnp.int32),
        ],
        compiler_params=pltpu.CompilerParams(needs_layout_passes=False),
    )
    def sc_kernel(scores_hbm, tid_hbm, out_hbm, row_v, tid_v):
        wid = lax.axis_index("s") * info.num_cores + lax.axis_index("c")
        for r in range(rows_per_w):
            b = wid * rows_per_w + r
            pltpu.sync_copy(scores_hbm.at[b], row_v)
            pltpu.sync_copy(tid_hbm.at[b], tid_v)
            gathered = []
            for c in range(_HIST // _LANES):
                idx = tid_v[pl.ds(c * _LANES, _LANES)]
                gathered.append((idx, plsc.load_gather(row_v, [idx])))
            for idx, v in gathered:
                pv = jnp.where(v < 0.0, v * _PEN, v * (1.0 / _PEN))
                plsc.store_scatter(row_v, [idx], pv)
            pltpu.sync_copy(row_v, out_hbm.at[b])

    return sc_kernel(scores, token_ids)


_NEG = -3e38
_MASKED_OUT = -1e24


def _tc_body(x_ref, mk_ref, beam_ref, outv_ref, outt_ref):
    x = x_ref[...]
    mk = mk_ref[...] != 0
    m = jnp.max(x, axis=1, keepdims=True)
    s = jnp.sum(jnp.exp(x - m), axis=1, keepdims=True)
    lse = m + jnp.log(s)
    beam = jnp.reshape(beam_ref[...], (_ROWS, 1))
    key = jnp.where(mk, x, jnp.float32(_NEG))
    iota = lax.broadcasted_iota(jnp.int32, (_ROWS, _V), 1)
    big = jnp.int32(2**31 - 1)
    vals, toks = [], []
    for k in range(_K):
        mx = jnp.max(key, axis=1, keepdims=True)
        eq = key == mx
        pos = jnp.min(jnp.where(eq, iota, big), axis=1, keepdims=True)
        val = jnp.where(mx < jnp.float32(-1e29), jnp.float32(_MASKED_OUT), mx - lse) + beam
        vals.append(val)
        toks.append(pos)
        if k < _K - 1:
            key = jnp.where(iota == pos, -jnp.inf, key)
    outv_ref[...] = jnp.concatenate(vals, axis=1)
    outt_ref[...] = jnp.concatenate(toks, axis=1)


def _tc_topk(xmod, mask_i32, beam3d):
    nrows = xmod.shape[0]
    return pl.pallas_call(
        _tc_body,
        grid=(nrows // _ROWS,),
        in_specs=[
            pl.BlockSpec((_ROWS, _V), lambda i: (i, 0)),
            pl.BlockSpec((_ROWS, _V), lambda i: (i, 0)),
            pl.BlockSpec((1, 1, _ROWS), lambda i: (i, 0, 0)),
        ],
        out_specs=[
            pl.BlockSpec((_ROWS, _K), lambda i: (i, 0)),
            pl.BlockSpec((_ROWS, _K), lambda i: (i, 0)),
        ],
        out_shape=[
            jax.ShapeDtypeStruct((nrows, _K), jnp.float32),
            jax.ShapeDtypeStruct((nrows, _K), jnp.int32),
        ],
    )(xmod, mask_i32, beam3d)


def kernel(scores, decoded_mask, token_ids, beam_scores):
    scores = scores.astype(jnp.float32)
    tid = token_ids.astype(jnp.int32)
    mk = decoded_mask.astype(jnp.int32)
    beam = beam_scores.astype(jnp.float32).reshape(_GRID, 1, _ROWS)
    xmod = _sc_penalize(scores, tid)
    next_scores, next_tokens = _tc_topk(xmod, mk, beam)
    return next_scores, next_tokens

# --- scband reference (transcript-rebuilt; emitter-appended) ---
"""Pipeline reference for scband-sequence-generator-model-38955353374776 (READ-ONLY COPY).

The authoritative reference and input builder live on the scoring server;
editing this copy changes nothing except your own understanding.
"""

import jax, jax.numpy as jnp
import numpy as np

VOCAB = 100000
B = 128
HIST = 32
NUM_BEAMS = 4
REP_PENALTY = 1.2

def setup_inputs(seed: int = 0) -> dict:
    key = jax.random.key(seed)
    k1, k2, k3, k4 = jax.random.split(key, 4)
    scores = jax.random.normal(k1, (B, VOCAB), dtype=jnp.float32)
    decoded_mask = jax.random.randint(k2, (B, VOCAB), 0, 2, dtype=jnp.int64)
    token_ids = jax.random.randint(k3, (B, HIST), 0, VOCAB, dtype=jnp.int64)
    beam_scores = jax.random.normal(k4, (B,), dtype=jnp.float32)
    return {"scores": scores, "decoded_mask": decoded_mask, "token_ids": token_ids, "beam_scores": beam_scores}

def reference(scores, decoded_mask, token_ids, beam_scores):
    # repetition penalty: gather scores at previously generated token ids,
    # rescale them, scatter back (torch scatter_ overwrite semantics)
    token_scores = jnp.take_along_axis(scores, token_ids, axis=1)
    lt_zero_mask = (token_scores < 0).astype(jnp.float32)
    ge_zero_mask = 1.0 - lt_zero_mask
    token_scores = lt_zero_mask * REP_PENALTY * token_scores + ge_zero_mask / REP_PENALTY * token_scores
    scores = jax.vmap(lambda row, idx, vals: row.at[idx].set(vals))(scores, token_ids, token_scores)
    # log-softmax over vocab
    logp = jax.nn.log_softmax(scores, axis=-1)
    # grammar-constraint masking: replace masked (mask==0) positions with -1e24
    masked = jnp.where(decoded_mask == 0, jnp.float32(-1e24), logp)
    # add running beam scores
    _scores = masked + beam_scores[:, None]
    # top-(num_beams+1) over vocab, sorted
    next_scores, next_tokens = jax.lax.top_k(_scores, NUM_BEAMS + 1)
    return next_scores, next_tokens

if __name__ == "__main__":
    import jax
    _d = setup_inputs()
    print(jax.jit(kernel)(*tuple(_d.values())))

</pallas_src>

<mosaic_0001>
#map = affine_map<(d0, d1) -> (0, 0)>
module attributes {stable_mosaic.version = 14 : i64} {
  func.func @sc_kernel(%arg0: i32, %arg1: i32, %arg2: memref<128x100000xf32, #tpu.memory_space<hbm>>, %arg3: memref<128x32xi32, #tpu.memory_space<hbm>>, %arg4: memref<128x100000xf32, #tpu.memory_space<hbm>>, %arg5: memref<100000xf32, #tpu.memory_space<vmem>>, %arg6: memref<32xi32, #tpu.memory_space<vmem>>) attributes {dimension_semantics = [#tpu.dimension_semantics<core_parallel>, #tpu.dimension_semantics<subcore_parallel>], iteration_bounds = array<i64: 2, 16>, scalar_prefetch = 0 : i64, scratch_operands = 2 : i64, tpu.core_type = #tpu.core_type<sc_vector_subcore>, window_params = [{transform_indices = #map}, {transform_indices = #map}, {transform_indices = #map}]} {
    %mul3A = arith.constant 2 : i32
    %mul3A_0 = arith.muli %arg1, %mul3A : i32
    %add3A = arith.addi %mul3A_0, %arg0 : i32
    %mul3A_1 = arith.constant 4 : i32
    %mul3A_2 = arith.muli %add3A, %mul3A_1 : i32
    %add3A_3 = arith.constant 0 : i32
    %add3A_4 = arith.addi %mul3A_2, %add3A_3 : i32
    "tpu.region"() ({
      %run_scoped3A = tpu.sem_alloc : memref<!tpu.dma_semaphore, #tpu.memory_space<semaphore_mem>>
      %dma_start3A = arith.constant 0 : i32
      %dma_start3A_117 = tpu.memref_slice %arg2[%add3A_4, %dma_start3A] : memref<128x100000xf32, #tpu.memory_space<hbm>> -> memref<1x100000xf32, #tpu.memory_space<hbm>>
      %dma_start3A_118 = tpu.memref_squeeze %dma_start3A_117 : memref<1x100000xf32, #tpu.memory_space<hbm>> -> memref<100000xf32, #tpu.memory_space<hbm>>
      %dma_start3A_119 = arith.constant 0 : i32
      %dma_start3A_120 = tpu.memref_slice %arg2[%add3A_4, %dma_start3A_119] : memref<128x100000xf32, #tpu.memory_space<hbm>> -> memref<1x100000xf32, #tpu.memory_space<hbm>>
      %dma_start3A_121 = tpu.memref_squeeze %dma_start3A_120 : memref<1x100000xf32, #tpu.memory_space<hbm>> -> memref<100000xf32, #tpu.memory_space<hbm>>
      tpu.enqueue_dma source(%dma_start3A_121 : memref<100000xf32, #tpu.memory_space<hbm>>) target(%arg5 : memref<100000xf32, #tpu.memory_space<vmem>>) target_semaphore(%run_scoped3A : memref<!tpu.dma_semaphore, #tpu.memory_space<semaphore_mem>>)
      %dma_wait3A = arith.constant 0 : i32
      %dma_wait3A_122 = tpu.memref_slice %arg2[%add3A_4, %dma_wait3A] : memref<128x100000xf32, #tpu.memory_space<hbm>> -> memref<1x100000xf32, #tpu.memory_space<hbm>>
      %dma_wait3A_123 = tpu.memref_squeeze %dma_wait3A_122 : memref<1x100000xf32, #tpu.memory_space<hbm>> -> memref<100000xf32, #tpu.memory_space<hbm>>
      %dma_wait3A_124 = arith.constant 0 : i32
      %dma_wait3A_125 = tpu.memref_slice %arg2[%add3A_4, %dma_wait3A_124] : memref<128x100000xf32, #tpu.memory_space<hbm>> -> memref<1x100000xf32, #tpu.memory_space<hbm>>
      %dma_wait3A_126 = tpu.memref_squeeze %dma_wait3A_125 : memref<1x100000xf32, #tpu.memory_space<hbm>> -> memref<100000xf32, #tpu.memory_space<hbm>>
      tpu.wait_dma2 semaphore(%run_scoped3A : memref<!tpu.dma_semaphore, #tpu.memory_space<semaphore_mem>>) src(%dma_wait3A_126 : memref<100000xf32, #tpu.memory_space<hbm>>) dst(%arg5 : memref<100000xf32, #tpu.memory_space<vmem>>)
      tpu.yield
    }) : () -> ()
    "tpu.region"() ({
      %run_scoped3A = tpu.sem_alloc : memref<!tpu.dma_semaphore, #tpu.memory_space<semaphore_mem>>
      %dma_start3A = arith.constant 0 : i32
      %dma_start3A_117 = tpu.memref_slice %arg3[%add3A_4, %dma_start3A] : memref<128x32xi32, #tpu.memory_space<hbm>> -> memref<1x32xi32, #tpu.memory_space<hbm>>
      %dma_start3A_118 = tpu.memref_squeeze %dma_start3A_117 : memref<1x32xi32, #tpu.memory_space<hbm>> -> memref<32xi32, #tpu.memory_space<hbm>>
      %dma_start3A_119 = arith.constant 0 : i32
      %dma_start3A_120 = tpu.memref_slice %arg3[%add3A_4, %dma_start3A_119] : memref<128x32xi32, #tpu.memory_space<hbm>> -> memref<1x32xi32, #tpu.memory_space<hbm>>
      %dma_start3A_121 = tpu.memref_squeeze %dma_start3A_120 : memref<1x32xi32, #tpu.memory_space<hbm>> -> memref<32xi32, #tpu.memory_space<hbm>>
      tpu.enqueue_dma source(%dma_start3A_121 : memref<32xi32, #tpu.memory_space<hbm>>) target(%arg6 : memref<32xi32, #tpu.memory_space<vmem>>) target_semaphore(%run_scoped3A : memref<!tpu.dma_semaphore, #tpu.memory_space<semaphore_mem>>)
      %dma_wait3A = arith.constant 0 : i32
      %dma_wait3A_122 = tpu.memref_slice %arg3[%add3A_4, %dma_wait3A] : memref<128x32xi32, #tpu.memory_space<hbm>> -> memref<1x32xi32, #tpu.memory_space<hbm>>
      %dma_wait3A_123 = tpu.memref_squeeze %dma_wait3A_122 : memref<1x32xi32, #tpu.memory_space<hbm>> -> memref<32xi32, #tpu.memory_space<hbm>>
      %dma_wait3A_124 = arith.constant 0 : i32
      %dma_wait3A_125 = tpu.memref_slice %arg3[%add3A_4, %dma_wait3A_124] : memref<128x32xi32, #tpu.memory_space<hbm>> -> memref<1x32xi32, #tpu.memory_space<hbm>>
      %dma_wait3A_126 = tpu.memref_squeeze %dma_wait3A_125 : memref<1x32xi32, #tpu.memory_space<hbm>> -> memref<32xi32, #tpu.memory_space<hbm>>
      tpu.wait_dma2 semaphore(%run_scoped3A : memref<!tpu.dma_semaphore, #tpu.memory_space<semaphore_mem>>) src(%dma_wait3A_126 : memref<32xi32, #tpu.memory_space<hbm>>) dst(%arg6 : memref<32xi32, #tpu.memory_space<vmem>>)
      tpu.yield
    }) : () -> ()
    %get3A = arith.constant 0 : index
    %get3A_5 = tpu.vector_load %arg6[%get3A] {strides = array<i32>} : memref<32xi32, #tpu.memory_space<vmem>>, vector<16xi32>,
    %gather3A = tpu.vector_load_idx %arg5[%get3A_5] : memref<100000xf32, #tpu.memory_space<vmem>>[vector<16xi32>], vector<16xf32>,
    %get3A_6 = arith.constant 16 : index
    %get3A_7 = tpu.vector_load %arg6[%get3A_6] {strides = array<i32>} : memref<32xi32, #tpu.memory_space<vmem>>, vector<16xi32>,
    %gather3A_8 = tpu.vector_load_idx %arg5[%get3A_7] : memref<100000xf32, #tpu.memory_space<vmem>>[vector<16xi32>], vector<16xf32>,
    %lt3A = arith.constant 0.000000e+00 : f32
    %lt3A_9 = vector.broadcast %lt3A : f32 to vector<16xf32>
    %lt3A_10 = arith.cmpf olt, %gather3A, %lt3A_9 : vector<16xf32>
    %mul3A_11 = arith.constant 1.200000e+00 : f32
    %mul3A_12 = vector.broadcast %mul3A_11 : f32 to vector<16xf32>
    %mul3A_13 = arith.mulf %gather3A, %mul3A_12 : vector<16xf32>
    %mul3A_14 = arith.constant 0.833333313 : f32
    %mul3A_15 = vector.broadcast %mul3A_14 : f32 to vector<16xf32>
    %mul3A_16 = arith.mulf %gather3A, %mul3A_15 : vector<16xf32>
    %select_n3A = arith.select %lt3A_10, %mul3A_13, %mul3A_16 : vector<16xi1>, vector<16xf32>
    tpu.vector_store_idx %arg5[%get3A_5], %select_n3A : memref<100000xf32, #tpu.memory_space<vmem>>[vector<16xi32>], vector<16xf32>,
    %lt3A_17 = arith.constant 0.000000e+00 : f32
    %lt3A_18 = vector.broadcast %lt3A_17 : f32 to vector<16xf32>
    %lt3A_19 = arith.cmpf olt, %gather3A_8, %lt3A_18 : vector<16xf32>
    %mul3A_20 = arith.constant 1.200000e+00 : f32
    %mul3A_21 = vector.broadcast %mul3A_20 : f32 to vector<16xf32>
    %mul3A_22 = arith.mulf %gather3A_8, %mul3A_21 : vector<16xf32>
    %mul3A_23 = arith.constant 0.833333313 : f32
    %mul3A_24 = vector.broadcast %mul3A_23 : f32 to vector<16xf32>
    %mul3A_25 = arith.mulf %gather3A_8, %mul3A_24 : vector<16xf32>
    %select_n3A_26 = arith.select %lt3A_19, %mul3A_22, %mul3A_25 : vector<16xi1>, vector<16xf32>
    tpu.vector_store_idx %arg5[%get3A_7], %select_n3A_26 : memref<100000xf32, #tpu.memory_space<vmem>>[vector<16xi32>], vector<16xf32>,
    "tpu.region"() ({
      %run_scoped3A = tpu.sem_alloc : memref<!tpu.dma_semaphore, #tpu.memory_space<semaphore_mem>>
      %dma_start3A = arith.constant 0 : i32
      %dma_start3A_117 = tpu.memref_slice %arg4[%add3A_4, %dma_start3A] : memref<128x100000xf32, #tpu.memory_space<hbm>> -> memref<1x100000xf32, #tpu.memory_space<hbm>>
      %dma_start3A_118 = tpu.memref_squeeze %dma_start3A_117 : memref<1x100000xf32, #tpu.memory_space<hbm>> -> memref<100000xf32, #tpu.memory_space<hbm>>
      %dma_start3A_119 = arith.constant 0 : i32
      %dma_start3A_120 = tpu.memref_slice %arg4[%add3A_4, %dma_start3A_119] : memref<128x100000xf32, #tpu.memory_space<hbm>> -> memref<1x100000xf32, #tpu.memory_space<hbm>>
      %dma_start3A_121 = tpu.memref_squeeze %dma_start3A_120 : memref<1x100000xf32, #tpu.memory_space<hbm>> -> memref<100000xf32, #tpu.memory_space<hbm>>
      tpu.enqueue_dma source(%arg5 : memref<100000xf32, #tpu.memory_space<vmem>>) target(%dma_start3A_121 : memref<100000xf32, #tpu.memory_space<hbm>>) target_semaphore(%run_scoped3A : memref<!tpu.dma_semaphore, #tpu.memory_space<semaphore_mem>>)
      %dma_wait3A = arith.constant 0 : i32
      %dma_wait3A_122 = tpu.memref_slice %arg4[%add3A_4, %dma_wait3A] : memref<128x100000xf32, #tpu.memory_space<hbm>> -> memref<1x100000xf32, #tpu.memory_space<hbm>>
      %dma_wait3A_123 = tpu.memref_squeeze %dma_wait3A_122 : memref<1x100000xf32, #tpu.memory_space<hbm>> -> memref<100000xf32, #tpu.memory_space<hbm>>
      %dma_wait3A_124 = arith.constant 0 : i32
      %dma_wait3A_125 = tpu.memref_slice %arg4[%add3A_4, %dma_wait3A_124] : memref<128x100000xf32, #tpu.memory_space<hbm>> -> memref<1x100000xf32, #tpu.memory_space<hbm>>
      %dma_wait3A_126 = tpu.memref_squeeze %dma_wait3A_125 : memref<1x100000xf32, #tpu.memory_space<hbm>> -> memref<100000xf32, #tpu.memory_space<hbm>>
      tpu.wait_dma2 semaphore(%run_scoped3A : memref<!tpu.dma_semaphore, #tpu.memory_space<semaphore_mem>>) src(%arg5 : memref<100000xf32, #tpu.memory_space<vmem>>) dst(%dma_wait3A_126 : memref<100000xf32, #tpu.memory_space<hbm>>)
      tpu.yield
    }) : () -> ()
    %mul3A_27 = arith.constant 4 : i32
    %mul3A_28 = arith.muli %add3A, %mul3A_27 : i32
    %add3A_29 = arith.constant 1 : i32
    %add3A_30 = arith.addi %mul3A_28, %add3A_29 : i32
    "tpu.region"() ({
      %run_scoped3A = tpu.sem_alloc : memref<!tpu.dma_semaphore, #tpu.memory_space<semaphore_mem>>
      %dma_start3A = arith.constant 0 : i32
      %dma_start3A_117 = tpu.memref_slice %arg2[%add3A_30, %dma_start3A] : memref<128x100000xf32, #tpu.memory_space<hbm>> -> memref<1x100000xf32, #tpu.memory_space<hbm>>
      %dma_start3A_118 = tpu.memref_squeeze %dma_start3A_117 : memref<1x100000xf32, #tpu.memory_space<hbm>> -> memref<100000xf32, #tpu.memory_space<hbm>>
      %dma_start3A_119 = arith.constant 0 : i32
      %dma_start3A_120 = tpu.memref_slice %arg2[%add3A_30, %dma_start3A_119] : memref<128x100000xf32, #tpu.memory_space<hbm>> -> memref<1x100000xf32, #tpu.memory_space<hbm>>
      %dma_start3A_121 = tpu.memref_squeeze %dma_start3A_120 : memref<1x100000xf32, #tpu.memory_space<hbm>> -> memref<100000xf32, #tpu.memory_space<hbm>>
      tpu.enqueue_dma source(%dma_start3A_121 : memref<100000xf32, #tpu.memory_space<hbm>>) target(%arg5 : memref<100000xf32, #tpu.memory_space<vmem>>) target_semaphore(%run_scoped3A : memref<!tpu.dma_semaphore, #tpu.memory_space<semaphore_mem>>)
      %dma_wait3A = arith.constant 0 : i32
      %dma_wait3A_122 = tpu.memref_slice %arg2[%add3A_30, %dma_wait3A] : memref<128x100000xf32, #tpu.memory_space<hbm>> -> memref<1x100000xf32, #tpu.memory_space<hbm>>
      %dma_wait3A_123 = tpu.memref_squeeze %dma_wait3A_122 : memref<1x100000xf32, #tpu.memory_space<hbm>> -> memref<100000xf32, #tpu.memory_space<hbm>>
      %dma_wait3A_124 = arith.constant 0 : i32
      %dma_wait3A_125 = tpu.memref_slice %arg2[%add3A_30, %dma_wait3A_124] : memref<128x100000xf32, #tpu.memory_space<hbm>> -> memref<1x100000xf32, #tpu.memory_space<hbm>>
      %dma_wait3A_126 = tpu.memref_squeeze %dma_wait3A_125 : memref<1x100000xf32, #tpu.memory_space<hbm>> -> memref<100000xf32, #tpu.memory_space<hbm>>
      tpu.wait_dma2 semaphore(%run_scoped3A : memref<!tpu.dma_semaphore, #tpu.memory_space<semaphore_mem>>) src(%dma_wait3A_126 : memref<100000xf32, #tpu.memory_space<hbm>>) dst(%arg5 : memref<100000xf32, #tpu.memory_space<vmem>>)
      tpu.yield
    }) : () -> ()
    "tpu.region"() ({
      %run_scoped3A = tpu.sem_alloc : memref<!tpu.dma_semaphore, #tpu.memory_space<semaphore_mem>>
      %dma_start3A = arith.constant 0 : i32
      %dma_start3A_117 = tpu.memref_slice %arg3[%add3A_30, %dma_start3A] : memref<128x32xi32, #tpu.memory_space<hbm>> -> memref<1x32xi32, #tpu.memory_space<hbm>>
      %dma_start3A_118 = tpu.memref_squeeze %dma_start3A_117 : memref<1x32xi32, #tpu.memory_space<hbm>> -> memref<32xi32, #tpu.memory_space<hbm>>
      %dma_start3A_119 = arith.constant 0 : i32
      %dma_start3A_120 = tpu.memref_slice %arg3[%add3A_30, %dma_start3A_119] : memref<128x32xi32, #tpu.memory_space<hbm>> -> memref<1x32xi32, #tpu.memory_space<hbm>>
      %dma_start3A_121 = tpu.memref_squeeze %dma_start3A_120 : memref<1x32xi32, #tpu.memory_space<hbm>> -> memref<32xi32, #tpu.memory_space<hbm>>
      tpu.enqueue_dma source(%dma_start3A_121 : memref<32xi32, #tpu.memory_space<hbm>>) target(%arg6 : memref<32xi32, #tpu.memory_space<vmem>>) target_semaphore(%run_scoped3A : memref<!tpu.dma_semaphore, #tpu.memory_space<semaphore_mem>>)
      %dma_wait3A = arith.constant 0 : i32
      %dma_wait3A_122 = tpu.memref_slice %arg3[%add3A_30, %dma_wait3A] : memref<128x32xi32, #tpu.memory_space<hbm>> -> memref<1x32xi32, #tpu.memory_space<hbm>>
      %dma_wait3A_123 = tpu.memref_squeeze %dma_wait3A_122 : memref<1x32xi32, #tpu.memory_space<hbm>> -> memref<32xi32, #tpu.memory_space<hbm>>
      %dma_wait3A_124 = arith.constant 0 : i32
      %dma_wait3A_125 = tpu.memref_slice %arg3[%add3A_30, %dma_wait3A_124] : memref<128x32xi32, #tpu.memory_space<hbm>> -> memref<1x32xi32, #tpu.memory_space<hbm>>
      %dma_wait3A_126 = tpu.memref_squeeze %dma_wait3A_125 : memref<1x32xi32, #tpu.memory_space<hbm>> -> memref<32xi32, #tpu.memory_space<hbm>>
      tpu.wait_dma2 semaphore(%run_scoped3A : memref<!tpu.dma_semaphore, #tpu.memory_space<semaphore_mem>>) src(%dma_wait3A_126 : memref<32xi32, #tpu.memory_space<hbm>>) dst(%arg6 : memref<32xi32, #tpu.memory_space<vmem>>)
      tpu.yield
    }) : () -> ()
    %get3A_31 = arith.constant 0 : index
    %get3A_32 = tpu.vector_load %arg6[%get3A_31] {strides = array<i32>} : memref<32xi32, #tpu.memory_space<vmem>>, vector<16xi32>,
    %gather3A_33 = tpu.vector_load_idx %arg5[%get3A_32] : memref<100000xf32, #tpu.memory_space<vmem>>[vector<16xi32>], vector<16xf32>,
    %get3A_34 = arith.constant 16 : index
    %get3A_35 = tpu.vector_load %arg6[%get3A_34] {strides = array<i32>} : memref<32xi32, #tpu.memory_space<vmem>>, vector<16xi32>,
    %gather3A_36 = tpu.vector_load_idx %arg5[%get3A_35] : memref<100000xf32, #tpu.memory_space<vmem>>[vector<16xi32>], vector<16xf32>,
    %lt3A_37 = arith.constant 0.000000e+00 : f32
    %lt3A_38 = vector.broadcast %lt3A_37 : f32 to vector<16xf32>
    %lt3A_39 = arith.cmpf olt, %gather3A_33, %lt3A_38 : vector<16xf32>
    %mul3A_40 = arith.constant 1.200000e+00 : f32
    %mul3A_41 = vector.broadcast %mul3A_40 : f32 to vector<16xf32>
    %mul3A_42 = arith.mulf %gather3A_33, %mul3A_41 : vector<16xf32>
    %mul3A_43 = arith.constant 0.833333313 : f32
    %mul3A_44 = vector.broadcast %mul3A_43 : f32 to vector<16xf32>
    %mul3A_45 = arith.mulf %gather3A_33, %mul3A_44 : vector<16xf32>
    %select_n3A_46 = arith.select %lt3A_39, %mul3A_42, %mul3A_45 : vector<16xi1>, vector<16xf32>
    tpu.vector_store_idx %arg5[%get3A_32], %select_n3A_46 : memref<100000xf32, #tpu.memory_space<vmem>>[vector<16xi32>], vector<16xf32>,
    %lt3A_47 = arith.constant 0.000000e+00 : f32
    %lt3A_48 = vector.broadcast %lt3A_47 : f32 to vector<16xf32>
    %lt3A_49 = arith.cmpf olt, %gather3A_36, %lt3A_48 : vector<16xf32>
    %mul3A_50 = arith.constant 1.200000e+00 : f32
    %mul3A_51 = vector.broadcast %mul3A_50 : f32 to vector<16xf32>
    %mul3A_52 = arith.mulf %gather3A_36, %mul3A_51 : vector<16xf32>
    %mul3A_53 = arith.constant 0.833333313 : f32
    %mul3A_54 = vector.broadcast %mul3A_53 : f32 to vector<16xf32>
    %mul3A_55 = arith.mulf %gather3A_36, %mul3A_54 : vector<16xf32>
    %select_n3A_56 = arith.select %lt3A_49, %mul3A_52, %mul3A_55 : vector<16xi1>, vector<16xf32>
    tpu.vector_store_idx %arg5[%get3A_35], %select_n3A_56 : memref<100000xf32, #tpu.memory_space<vmem>>[vector<16xi32>], vector<16xf32>,
    "tpu.region"() ({
      %run_scoped3A = tpu.sem_alloc : memref<!tpu.dma_semaphore, #tpu.memory_space<semaphore_mem>>
      %dma_start3A = arith.constant 0 : i32
      %dma_start3A_117 = tpu.memref_slice %arg4[%add3A_30, %dma_start3A] : memref<128x100000xf32, #tpu.memory_space<hbm>> -> memref<1x100000xf32, #tpu.memory_space<hbm>>
      %dma_start3A_118 = tpu.memref_squeeze %dma_start3A_117 : memref<1x100000xf32, #tpu.memory_space<hbm>> -> memref<100000xf32, #tpu.memory_space<hbm>>
      %dma_start3A_119 = arith.constant 0 : i32
      %dma_start3A_120 = tpu.memref_slice %arg4[%add3A_30, %dma_start3A_119] : memref<128x100000xf32, #tpu.memory_space<hbm>> -> memref<1x100000xf32, #tpu.memory_space<hbm>>
      %dma_start3A_121 = tpu.memref_squeeze %dma_start3A_120 : memref<1x100000xf32, #tpu.memory_space<hbm>> -> memref<100000xf32, #tpu.memory_space<hbm>>
      tpu.enqueue_dma source(%arg5 : memref<100000xf32, #tpu.memory_space<vmem>>) target(%dma_start3A_121 : memref<100000xf32, #tpu.memory_space<hbm>>) target_semaphore(%run_scoped3A : memref<!tpu.dma_semaphore, #tpu.memory_space<semaphore_mem>>)
      %dma_wait3A = arith.constant 0 : i32
      %dma_wait3A_122 = tpu.memref_slice %arg4[%add3A_30, %dma_wait3A] : memref<128x100000xf32, #tpu.memory_space<hbm>> -> memref<1x100000xf32, #tpu.memory_space<hbm>>
      %dma_wait3A_123 = tpu.memref_squeeze %dma_wait3A_122 : memref<1x100000xf32, #tpu.memory_space<hbm>> -> memref<100000xf32, #tpu.memory_space<hbm>>
      %dma_wait3A_124 = arith.constant 0 : i32
      %dma_wait3A_125 = tpu.memref_slice %arg4[%add3A_30, %dma_wait3A_124] : memref<128x100000xf32, #tpu.memory_space<hbm>> -> memref<1x100000xf32, #tpu.memory_space<hbm>>
      %dma_wait3A_126 = tpu.memref_squeeze %dma_wait3A_125 : memref<1x100000xf32, #tpu.memory_space<hbm>> -> memref<100000xf32, #tpu.memory_space<hbm>>
      tpu.wait_dma2 semaphore(%run_scoped3A : memref<!tpu.dma_semaphore, #tpu.memory_space<semaphore_mem>>) src(%arg5 : memref<100000xf32, #tpu.memory_space<vmem>>) dst(%dma_wait3A_126 : memref<100000xf32, #tpu.memory_space<hbm>>)
      tpu.yield
    }) : () -> ()
    %mul3A_57 = arith.constant 4 : i32
    %mul3A_58 = arith.muli %add3A, %mul3A_57 : i32
    %add3A_59 = arith.constant 2 : i32
    %add3A_60 = arith.addi %mul3A_58, %add3A_59 : i32
    "tpu.region"() ({
      %run_scoped3A = tpu.sem_alloc : memref<!tpu.dma_semaphore, #tpu.memory_space<semaphore_mem>>
      %dma_start3A = arith.constant 0 : i32
      %dma_start3A_117 = tpu.memref_slice %arg2[%add3A_60, %dma_start3A] : memref<128x100000xf32, #tpu.memory_space<hbm>> -> memref<1x100000xf32, #tpu.memory_space<hbm>>
      %dma_start3A_118 = tpu.memref_squeeze %dma_start3A_117 : memref<1x100000xf32, #tpu.memory_space<hbm>> -> memref<100000xf32, #tpu.memory_space<hbm>>
      %dma_start3A_119 = arith.constant 0 : i32
      %dma_start3A_120 = tpu.memref_slice %arg2[%add3A_60, %dma_start3A_119] : memref<128x100000xf32, #tpu.memory_space<hbm>> -> memref<1x100000xf32, #tpu.memory_space<hbm>>
      %dma_start3A_121 = tpu.memref_squeeze %dma_start3A_120 : memref<1x100000xf32, #tpu.memory_space<hbm>> -> memref<100000xf32, #tpu.memory_space<hbm>>
      tpu.enqueue_dma source(%dma_start3A_121 : memref<100000xf32, #tpu.memory_space<hbm>>) target(%arg5 : memref<100000xf32, #tpu.memory_space<vmem>>) target_semaphore(%run_scoped3A : memref<!tpu.dma_semaphore, #tpu.memory_space<semaphore_mem>>)
      %dma_wait3A = arith.constant 0 : i32
      %dma_wait3A_122 = tpu.memref_slice %arg2[%add3A_60, %dma_wait3A] : memref<128x100000xf32, #tpu.memory_space<hbm>> -> memref<1x100000xf32, #tpu.memory_space<hbm>>
      %dma_wait3A_123 = tpu.memref_squeeze %dma_wait3A_122 : memref<1x100000xf32, #tpu.memory_space<hbm>> -> memref<100000xf32, #tpu.memory_space<hbm>>
      %dma_wait3A_124 = arith.constant 0 : i32
      %dma_wait3A_125 = tpu.memref_slice %arg2[%add3A_60, %dma_wait3A_124] : memref<128x100000xf32, #tpu.memory_space<hbm>> -> memref<1x100000xf32, #tpu.memory_space<hbm>>
      %dma_wait3A_126 = tpu.memref_squeeze %dma_wait3A_125 : memref<1x100000xf32, #tpu.memory_space<hbm>> -> memref<100000xf32, #tpu.memory_space<hbm>>
      tpu.wait_dma2 semaphore(%run_scoped3A : memref<!tpu.dma_semaphore, #tpu.memory_space<semaphore_mem>>) src(%dma_wait3A_126 : memref<100000xf32, #tpu.memory_space<hbm>>) dst(%arg5 : memref<100000xf32, #tpu.memory_space<vmem>>)
      tpu.yield
    }) : () -> ()
    "tpu.region"() ({
      %run_scoped3A = tpu.sem_alloc : memref<!tpu.dma_semaphore, #tpu.memory_space<semaphore_mem>>
      %dma_start3A = arith.constant 0 : i32
      %dma_start3A_117 = tpu.memref_slice %arg3[%add3A_60, %dma_start3A] : memref<128x32xi32, #tpu.memory_space<hbm>> -> memref<1x32xi32, #tpu.memory_space<hbm>>
      %dma_start3A_118 = tpu.memref_squeeze %dma_start3A_117 : memref<1x32xi32, #tpu.memory_space<hbm>> -> memref<32xi32, #tpu.memory_space<hbm>>
      %dma_start3A_119 = arith.constant 0 : i32
      %dma_start3A_120 = tpu.memref_slice %arg3[%add3A_60, %dma_start3A_119] : memref<128x32xi32, #tpu.memory_space<hbm>> -> memref<1x32xi32, #tpu.memory_space<hbm>>
      %dma_start3A_121 = tpu.memref_squeeze %dma_start3A_120 : memref<1x32xi32, #tpu.memory_space<hbm>> -> memref<32xi32, #tpu.memory_space<hbm>>
      tpu.enqueue_dma source(%dma_start3A_121 : memref<32xi32, #tpu.memory_space<hbm>>) target(%arg6 : memref<32xi32, #tpu.memory_space<vmem>>) target_semaphore(%run_scoped3A : memref<!tpu.dma_semaphore, #tpu.memory_space<semaphore_mem>>)
      %dma_wait3A = arith.constant 0 : i32
      %dma_wait3A_122 = tpu.memref_slice %arg3[%add3A_60, %dma_wait3A] : memref<128x32xi32, #tpu.memory_space<hbm>> -> memref<1x32xi32, #tpu.memory_space<hbm>>
      %dma_wait3A_123 = tpu.memref_squeeze %dma_wait3A_122 : memref<1x32xi32, #tpu.memory_space<hbm>> -> memref<32xi32, #tpu.memory_space<hbm>>
      %dma_wait3A_124 = arith.constant 0 : i32
      %dma_wait3A_125 = tpu.memref_slice %arg3[%add3A_60, %dma_wait3A_124] : memref<128x32xi32, #tpu.memory_space<hbm>> -> memref<1x32xi32, #tpu.memory_space<hbm>>
      %dma_wait3A_126 = tpu.memref_squeeze %dma_wait3A_125 : memref<1x32xi32, #tpu.memory_space<hbm>> -> memref<32xi32, #tpu.memory_space<hbm>>
      tpu.wait_dma2 semaphore(%run_scoped3A : memref<!tpu.dma_semaphore, #tpu.memory_space<semaphore_mem>>) src(%dma_wait3A_126 : memref<32xi32, #tpu.memory_space<hbm>>) dst(%arg6 : memref<32xi32, #tpu.memory_space<vmem>>)
      tpu.yield
    }) : () -> ()
    %get3A_61 = arith.constant 0 : index
    %get3A_62 = tpu.vector_load %arg6[%get3A_61] {strides = array<i32>} : memref<32xi32, #tpu.memory_space<vmem>>, vector<16xi32>,
    %gather3A_63 = tpu.vector_load_idx %arg5[%get3A_62] : memref<100000xf32, #tpu.memory_space<vmem>>[vector<16xi32>], vector<16xf32>,
    %get3A_64 = arith.constant 16 : index
    %get3A_65 = tpu.vector_load %arg6[%get3A_64] {strides = array<i32>} : memref<32xi32, #tpu.memory_space<vmem>>, vector<16xi32>,
    %gather3A_66 = tpu.vector_load_idx %arg5[%get3A_65] : memref<100000xf32, #tpu.memory_space<vmem>>[vector<16xi32>], vector<16xf32>,
    %lt3A_67 = arith.constant 0.000000e+00 : f32
    %lt3A_68 = vector.broadcast %lt3A_67 : f32 to vector<16xf32>
    %lt3A_69 = arith.cmpf olt, %gather3A_63, %lt3A_68 : vector<16xf32>
    %mul3A_70 = arith.constant 1.200000e+00 : f32
    %mul3A_71 = vector.broadcast %mul3A_70 : f32 to vector<16xf32>
    %mul3A_72 = arith.mulf %gather3A_63, %mul3A_71 : vector<16xf32>
    %mul3A_73 = arith.constant 0.833333313 : f32
    %mul3A_74 = vector.broadcast %mul3A_73 : f32 to vector<16xf32>
    %mul3A_75 = arith.mulf %gather3A_63, %mul3A_74 : vector<16xf32>
    %select_n3A_76 = arith.select %lt3A_69, %mul3A_72, %mul3A_75 : vector<16xi1>, vector<16xf32>
    tpu.vector_store_idx %arg5[%get3A_62], %select_n3A_76 : memref<100000xf32, #tpu.memory_space<vmem>>[vector<16xi32>], vector<16xf32>,
    %lt3A_77 = arith.constant 0.000000e+00 : f32
    %lt3A_78 = vector.broadcast %lt3A_77 : f32 to vector<16xf32>
    %lt3A_79 = arith.cmpf olt, %gather3A_66, %lt3A_78 : vector<16xf32>
    %mul3A_80 = arith.constant 1.200000e+00 : f32
    %mul3A_81 = vector.broadcast %mul3A_80 : f32 to vector<16xf32>
    %mul3A_82 = arith.mulf %gather3A_66, %mul3A_81 : vector<16xf32>
    %mul3A_83 = arith.constant 0.833333313 : f32
    %mul3A_84 = vector.broadcast %mul3A_83 : f32 to vector<16xf32>
    %mul3A_85 = arith.mulf %gather3A_66, %mul3A_84 : vector<16xf32>
    %select_n3A_86 = arith.select %lt3A_79, %mul3A_82, %mul3A_85 : vector<16xi1>, vector<16xf32>
    tpu.vector_store_idx %arg5[%get3A_65], %select_n3A_86 : memref<100000xf32, #tpu.memory_space<vmem>>[vector<16xi32>], vector<16xf32>,
    "tpu.region"() ({
      %run_scoped3A = tpu.sem_alloc : memref<!tpu.dma_semaphore, #tpu.memory_space<semaphore_mem>>
      %dma_start3A = arith.constant 0 : i32
      %dma_start3A_117 = tpu.memref_slice %arg4[%add3A_60, %dma_start3A] : memref<128x100000xf32, #tpu.memory_space<hbm>> -> memref<1x100000xf32, #tpu.memory_space<hbm>>
      %dma_start3A_118 = tpu.memref_squeeze %dma_start3A_117 : memref<1x100000xf32, #tpu.memory_space<hbm>> -> memref<100000xf32, #tpu.memory_space<hbm>>
      %dma_start3A_119 = arith.constant 0 : i32
      %dma_start3A_120 = tpu.memref_slice %arg4[%add3A_60, %dma_start3A_119] : memref<128x100000xf32, #tpu.memory_space<hbm>> -> memref<1x100000xf32, #tpu.memory_space<hbm>>
      %dma_start3A_121 = tpu.memref_squeeze %dma_start3A_120 : memref<1x100000xf32, #tpu.memory_space<hbm>> -> memref<100000xf32, #tpu.memory_space<hbm>>
      tpu.enqueue_dma source(%arg5 : memref<100000xf32, #tpu.memory_space<vmem>>) target(%dma_start3A_121 : memref<100000xf32, #tpu.memory_space<hbm>>) target_semaphore(%run_scoped3A : memref<!tpu.dma_semaphore, #tpu.memory_space<semaphore_mem>>)
      %dma_wait3A = arith.constant 0 : i32
      %dma_wait3A_122 = tpu.memref_slice %arg4[%add3A_60, %dma_wait3A] : memref<128x100000xf32, #tpu.memory_space<hbm>> -> memref<1x100000xf32, #tpu.memory_space<hbm>>
      %dma_wait3A_123 = tpu.memref_squeeze %dma_wait3A_122 : memref<1x100000xf32, #tpu.memory_space<hbm>> -> memref<100000xf32, #tpu.memory_space<hbm>>
      %dma_wait3A_124 = arith.constant 0 : i32
      %dma_wait3A_125 = tpu.memref_slice %arg4[%add3A_60, %dma_wait3A_124] : memref<128x100000xf32, #tpu.memory_space<hbm>> -> memref<1x100000xf32, #tpu.memory_space<hbm>>
      %dma_wait3A_126 = tpu.memref_squeeze %dma_wait3A_125 : memref<1x100000xf32, #tpu.memory_space<hbm>> -> memref<100000xf32, #tpu.memory_space<hbm>>
      tpu.wait_dma2 semaphore(%run_scoped3A : memref<!tpu.dma_semaphore, #tpu.memory_space<semaphore_mem>>) src(%arg5 : memref<100000xf32, #tpu.memory_space<vmem>>) dst(%dma_wait3A_126 : memref<100000xf32, #tpu.memory_space<hbm>>)
      tpu.yield
    }) : () -> ()
    %mul3A_87 = arith.constant 4 : i32
    %mul3A_88 = arith.muli %add3A, %mul3A_87 : i32
    %add3A_89 = arith.constant 3 : i32
    %add3A_90 = arith.addi %mul3A_88, %add3A_89 : i32
    "tpu.region"() ({
      %run_scoped3A = tpu.sem_alloc : memref<!tpu.dma_semaphore, #tpu.memory_space<semaphore_mem>>
      %dma_start3A = arith.constant 0 : i32
      %dma_start3A_117 = tpu.memref_slice %arg2[%add3A_90, %dma_start3A] : memref<128x100000xf32, #tpu.memory_space<hbm>> -> memref<1x100000xf32, #tpu.memory_space<hbm>>
      %dma_start3A_118 = tpu.memref_squeeze %dma_start3A_117 : memref<1x100000xf32, #tpu.memory_space<hbm>> -> memref<100000xf32, #tpu.memory_space<hbm>>
      %dma_start3A_119 = arith.constant 0 : i32
      %dma_start3A_120 = tpu.memref_slice %arg2[%add3A_90, %dma_start3A_119] : memref<128x100000xf32, #tpu.memory_space<hbm>> -> memref<1x100000xf32, #tpu.memory_space<hbm>>
      %dma_start3A_121 = tpu.memref_squeeze %dma_start3A_120 : memref<1x100000xf32, #tpu.memory_space<hbm>> -> memref<100000xf32, #tpu.memory_space<hbm>>
      tpu.enqueue_dma source(%dma_start3A_121 : memref<100000xf32, #tpu.memory_space<hbm>>) target(%arg5 : memref<100000xf32, #tpu.memory_space<vmem>>) target_semaphore(%run_scoped3A : memref<!tpu.dma_semaphore, #tpu.memory_space<semaphore_mem>>)
      %dma_wait3A = arith.constant 0 : i32
      %dma_wait3A_122 = tpu.memref_slice %arg2[%add3A_90, %dma_wait3A] : memref<128x100000xf32, #tpu.memory_space<hbm>> -> memref<1x100000xf32, #tpu.memory_space<hbm>>
      %dma_wait3A_123 = tpu.memref_squeeze %dma_wait3A_122 : memref<1x100000xf32, #tpu.memory_space<hbm>> -> memref<100000xf32, #tpu.memory_space<hbm>>
      %dma_wait3A_124 = arith.constant 0 : i32
      %dma_wait3A_125 = tpu.memref_slice %arg2[%add3A_90, %dma_wait3A_124] : memref<128x100000xf32, #tpu.memory_space<hbm>> -> memref<1x100000xf32, #tpu.memory_space<hbm>>
      %dma_wait3A_126 = tpu.memref_squeeze %dma_wait3A_125 : memref<1x100000xf32, #tpu.memory_space<hbm>> -> memref<100000xf32, #tpu.memory_space<hbm>>
      tpu.wait_dma2 semaphore(%run_scoped3A : memref<!tpu.dma_semaphore, #tpu.memory_space<semaphore_mem>>) src(%dma_wait3A_126 : memref<100000xf32, #tpu.memory_space<hbm>>) dst(%arg5 : memref<100000xf32, #tpu.memory_space<vmem>>)
      tpu.yield
    }) : () -> ()
    "tpu.region"() ({
      %run_scoped3A = tpu.sem_alloc : memref<!tpu.dma_semaphore, #tpu.memory_space<semaphore_mem>>
      %dma_start3A = arith.constant 0 : i32
      %dma_start3A_117 = tpu.memref_slice %arg3[%add3A_90, %dma_start3A] : memref<128x32xi32, #tpu.memory_space<hbm>> -> memref<1x32xi32, #tpu.memory_space<hbm>>
      %dma_start3A_118 = tpu.memref_squeeze %dma_start3A_117 : memref<1x32xi32, #tpu.memory_space<hbm>> -> memref<32xi32, #tpu.memory_space<hbm>>
      %dma_start3A_119 = arith.constant 0 : i32
      %dma_start3A_120 = tpu.memref_slice %arg3[%add3A_90, %dma_start3A_119] : memref<128x32xi32, #tpu.memory_space<hbm>> -> memref<1x32xi32, #tpu.memory_space<hbm>>
      %dma_start3A_121 = tpu.memref_squeeze %dma_start3A_120 : memref<1x32xi32, #tpu.memory_space<hbm>> -> memref<32xi32, #tpu.memory_space<hbm>>
      tpu.enqueue_dma source(%dma_start3A_121 : memref<32xi32, #tpu.memory_space<hbm>>) target(%arg6 : memref<32xi32, #tpu.memory_space<vmem>>) target_semaphore(%run_scoped3A : memref<!tpu.dma_semaphore, #tpu.memory_space<semaphore_mem>>)
      %dma_wait3A = arith.constant 0 : i32
      %dma_wait3A_122 = tpu.memref_slice %arg3[%add3A_90, %dma_wait3A] : memref<128x32xi32, #tpu.memory_space<hbm>> -> memref<1x32xi32, #tpu.memory_space<hbm>>
      %dma_wait3A_123 = tpu.memref_squeeze %dma_wait3A_122 : memref<1x32xi32, #tpu.memory_space<hbm>> -> memref<32xi32, #tpu.memory_space<hbm>>
      %dma_wait3A_124 = arith.constant 0 : i32
      %dma_wait3A_125 = tpu.memref_slice %arg3[%add3A_90, %dma_wait3A_124] : memref<128x32xi32, #tpu.memory_space<hbm>> -> memref<1x32xi32, #tpu.memory_space<hbm>>
      %dma_wait3A_126 = tpu.memref_squeeze %dma_wait3A_125 : memref<1x32xi32, #tpu.memory_space<hbm>> -> memref<32xi32, #tpu.memory_space<hbm>>
      tpu.wait_dma2 semaphore(%run_scoped3A : memref<!tpu.dma_semaphore, #tpu.memory_space<semaphore_mem>>) src(%dma_wait3A_126 : memref<32xi32, #tpu.memory_space<hbm>>) dst(%arg6 : memref<32xi32, #tpu.memory_space<vmem>>)
      tpu.yield
    }) : () -> ()
    %get3A_91 = arith.constant 0 : index
    %get3A_92 = tpu.vector_load %arg6[%get3A_91] {strides = array<i32>} : memref<32xi32, #tpu.memory_space<vmem>>, vector<16xi32>,
    %gather3A_93 = tpu.vector_load_idx %arg5[%get3A_92] : memref<100000xf32, #tpu.memory_space<vmem>>[vector<16xi32>], vector<16xf32>,
    %get3A_94 = arith.constant 16 : index
    %get3A_95 = tpu.vector_load %arg6[%get3A_94] {strides = array<i32>} : memref<32xi32, #tpu.memory_space<vmem>>, vector<16xi32>,
    %gather3A_96 = tpu.vector_load_idx %arg5[%get3A_95] : memref<100000xf32, #tpu.memory_space<vmem>>[vector<16xi32>], vector<16xf32>,
    %lt3A_97 = arith.constant 0.000000e+00 : f32
    %lt3A_98 = vector.broadcast %lt3A_97 : f32 to vector<16xf32>
    %lt3A_99 = arith.cmpf olt, %gather3A_93, %lt3A_98 : vector<16xf32>
    %mul3A_100 = arith.constant 1.200000e+00 : f32
    %mul3A_101 = vector.broadcast %mul3A_100 : f32 to vector<16xf32>
    %mul3A_102 = arith.mulf %gather3A_93, %mul3A_101 : vector<16xf32>
    %mul3A_103 = arith.constant 0.833333313 : f32
    %mul3A_104 = vector.broadcast %mul3A_103 : f32 to vector<16xf32>
    %mul3A_105 = arith.mulf %gather3A_93, %mul3A_104 : vector<16xf32>
    %select_n3A_106 = arith.select %lt3A_99, %mul3A_102, %mul3A_105 : vector<16xi1>, vector<16xf32>
    tpu.vector_store_idx %arg5[%get3A_92], %select_n3A_106 : memref<100000xf32, #tpu.memory_space<vmem>>[vector<16xi32>], vector<16xf32>,
    %lt3A_107 = arith.constant 0.000000e+00 : f32
    %lt3A_108 = vector.broadcast %lt3A_107 : f32 to vector<16xf32>
    %lt3A_109 = arith.cmpf olt, %gather3A_96, %lt3A_108 : vector<16xf32>
    %mul3A_110 = arith.constant 1.200000e+00 : f32
    %mul3A_111 = vector.broadcast %mul3A_110 : f32 to vector<16xf32>
    %mul3A_112 = arith.mulf %gather3A_96, %mul3A_111 : vector<16xf32>
    %mul3A_113 = arith.constant 0.833333313 : f32
    %mul3A_114 = vector.broadcast %mul3A_113 : f32 to vector<16xf32>
    %mul3A_115 = arith.mulf %gather3A_96, %mul3A_114 : vector<16xf32>
    %select_n3A_116 = arith.select %lt3A_109, %mul3A_112, %mul3A_115 : vector<16xi1>, vector<16xf32>
    tpu.vector_store_idx %arg5[%get3A_95], %select_n3A_116 : memref<100000xf32, #tpu.memory_space<vmem>>[vector<16xi32>], vector<16xf32>,
    "tpu.region"() ({
      %run_scoped3A = tpu.sem_alloc : memref<!tpu.dma_semaphore, #tpu.memory_space<semaphore_mem>>
      %dma_start3A = arith.constant 0 : i32
      %dma_start3A_117 = tpu.memref_slice %arg4[%add3A_90, %dma_start3A] : memref<128x100000xf32, #tpu.memory_space<hbm>> -> memref<1x100000xf32, #tpu.memory_space<hbm>>
      %dma_start3A_118 = tpu.memref_squeeze %dma_start3A_117 : memref<1x100000xf32, #tpu.memory_space<hbm>> -> memref<100000xf32, #tpu.memory_space<hbm>>
      %dma_start3A_119 = arith.constant 0 : i32
      %dma_start3A_120 = tpu.memref_slice %arg4[%add3A_90, %dma_start3A_119] : memref<128x100000xf32, #tpu.memory_space<hbm>> -> memref<1x100000xf32, #tpu.memory_space<hbm>>
      %dma_start3A_121 = tpu.memref_squeeze %dma_start3A_120 : memref<1x100000xf32, #tpu.memory_space<hbm>> -> memref<100000xf32, #tpu.memory_space<hbm>>
      tpu.enqueue_dma source(%arg5 : memref<100000xf32, #tpu.memory_space<vmem>>) target(%dma_start3A_121 : memref<100000xf32, #tpu.memory_space<hbm>>) target_semaphore(%run_scoped3A : memref<!tpu.dma_semaphore, #tpu.memory_space<semaphore_mem>>)
      %dma_wait3A = arith.constant 0 : i32
      %dma_wait3A_122 = tpu.memref_slice %arg4[%add3A_90, %dma_wait3A] : memref<128x100000xf32, #tpu.memory_space<hbm>> -> memref<1x100000xf32, #tpu.memory_space<hbm>>
      %dma_wait3A_123 = tpu.memref_squeeze %dma_wait3A_122 : memref<1x100000xf32, #tpu.memory_space<hbm>> -> memref<100000xf32, #tpu.memory_space<hbm>>
      %dma_wait3A_124 = arith.constant 0 : i32
      %dma_wait3A_125 = tpu.memref_slice %arg4[%add3A_90, %dma_wait3A_124] : memref<128x100000xf32, #tpu.memory_space<hbm>> -> memref<1x100000xf32, #tpu.memory_space<hbm>>
      %dma_wait3A_126 = tpu.memref_squeeze %dma_wait3A_125 : memref<1x100000xf32, #tpu.memory_space<hbm>> -> memref<100000xf32, #tpu.memory_space<hbm>>
      tpu.wait_dma2 semaphore(%run_scoped3A : memref<!tpu.dma_semaphore, #tpu.memory_space<semaphore_mem>>) src(%arg5 : memref<100000xf32, #tpu.memory_space<vmem>>) dst(%dma_wait3A_126 : memref<100000xf32, #tpu.memory_space<hbm>>)
      tpu.yield
    }) : () -> ()
    return
  }
}

module attributes {stable_mosaic.version = 14 : i64} {
  func.func @_tc_body(%arg0: i32, %arg1: memref<8x100000xf32, #tpu.memory_space<vmem>>, %arg2: memref<8x100000xi32, #tpu.memory_space<vmem>>, %arg3: memref<1x1x8xf32, #tpu.memory_space<vmem>>, %arg4: memref<8x5xf32, #tpu.memory_space<vmem>>, %arg5: memref<8x5xi32, #tpu.memory_space<vmem>>) attributes {dimension_semantics = [#tpu.dimension_semantics<arbitrary>], iteration_bounds = array<i64: 16>, scalar_prefetch = 0 : i64, scratch_operands = 0 : i64, tpu.core_type = #tpu.core_type<tc>, window_params = [{transform_indices = @transform_0, window_bounds = array<i64: 8, 100000>}, {transform_indices = @transform_1, window_bounds = array<i64: 8, 100000>}, {transform_indices = @transform_2, window_bounds = array<i64: 1, 1, 8>}, {transform_indices = @transform_3, window_bounds = array<i64: 8, 5>}, {transform_indices = @transform_4, window_bounds = array<i64: 8, 5>}]} {
    %get3A = arith.constant 0 : index
    %get3A_0 = arith.constant 0 : index
    %get3A_1 = vector.load %arg1[%get3A, %get3A_0] : memref<8x100000xf32, #tpu.memory_space<vmem>>, vector<8x100000xf32>
    %get3A_2 = arith.constant 0 : index
    %get3A_3 = arith.constant 0 : index
    %get3A_4 = vector.load %arg2[%get3A_2, %get3A_3] : memref<8x100000xi32, #tpu.memory_space<vmem>>, vector<8x100000xi32>
    %ne3A = arith.constant 0 : i32
    %ne3A_5 = vector.broadcast %ne3A : i32 to vector<8x100000xi32>
    %ne3A_6 = arith.cmpi ne, %get3A_4, %ne3A_5 : vector<8x100000xi32>
    %reduce_max3A = arith.constant dense<0xFF800000> : vector<8xf32>
    %reduce_max3A_7 = vector.multi_reduction <maximumf>, %get3A_1, %reduce_max3A [1] : vector<8x100000xf32> to vector<8xf32>
    %broadcast_in_dim3A = vector.shape_cast %reduce_max3A_7 : vector<8xf32> to vector<8x1xf32>
    %sub3A = vector.broadcast %broadcast_in_dim3A : vector<8x1xf32> to vector<8x100000xf32>
    %sub3A_8 = arith.subf %get3A_1, %sub3A : vector<8x100000xf32>
    %exp3A = math.exp %sub3A_8 : vector<8x100000xf32>
    %reduce_sum3A = arith.constant dense<0.000000e+00> : vector<8xf32>
    %reduce_sum3A_9 = vector.multi_reduction <add>, %exp3A, %reduce_sum3A [1] : vector<8x100000xf32> to vector<8xf32>
    %broadcast_in_dim3A_10 = vector.shape_cast %reduce_sum3A_9 : vector<8xf32> to vector<8x1xf32>
    %log3A = math.log %broadcast_in_dim3A_10 : vector<8x1xf32>
    %add3A = arith.addf %broadcast_in_dim3A, %log3A : vector<8x1xf32>
    %get3A_11 = arith.constant 0 : index
    %get3A_12 = arith.constant 0 : index
    %get3A_13 = arith.constant 0 : index
    %get3A_14 = vector.load %arg3[%get3A_11, %get3A_12, %get3A_13] : memref<1x1x8xf32, #tpu.memory_space<vmem>>, vector<1x1x8xf32>
    %reshape3A = vector.shape_cast %get3A_14 : vector<1x1x8xf32> to vector<8x1xf32>
    %jit3A = arith.constant -3.000000e+38 : f32
    %broadcast_in_dim3A_15 = vector.broadcast %jit3A : f32 to vector<8x100000xf32>
    %select_n3A = arith.select %ne3A_6, %get3A_1, %broadcast_in_dim3A_15 : vector<8x100000xi1>, vector<8x100000xf32>
    %iota3A = tpu.iota {dimensions = array<i32: 1>} : vector<8x100000xi32>
    %reduce_max3A_16 = arith.constant dense<0xFF800000> : vector<8xf32>
    %reduce_max3A_17 = vector.multi_reduction <maximumf>, %select_n3A, %reduce_max3A_16 [1] : vector<8x100000xf32> to vector<8xf32>
    %broadcast_in_dim3A_18 = vector.shape_cast %reduce_max3A_17 : vector<8xf32> to vector<8x1xf32>
    %eq3A = vector.broadcast %broadcast_in_dim3A_18 : vector<8x1xf32> to vector<8x100000xf32>
    %eq3A_19 = arith.cmpf oeq, %select_n3A, %eq3A : vector<8x100000xf32>
    %jit3A_20 = arith.constant 2147483647 : i32
    %broadcast_in_dim3A_21 = vector.broadcast %jit3A_20 : i32 to vector<8x100000xi32>
    %select_n3A_22 = arith.select %eq3A_19, %iota3A, %broadcast_in_dim3A_21 : vector<8x100000xi1>, vector<8x100000xi32>
    %reduce_min3A = arith.constant dense<2147483647> : vector<8xi32>
    %reduce_min3A_23 = vector.multi_reduction <minsi>, %select_n3A_22, %reduce_min3A [1] : vector<8x100000xi32> to vector<8xi32>
    %broadcast_in_dim3A_24 = vector.shape_cast %reduce_min3A_23 : vector<8xi32> to vector<8x1xi32>
    %lt3A = arith.constant -1.000000e+29 : f32
    %lt3A_25 = vector.broadcast %lt3A : f32 to vector<8x1xf32>
    %lt3A_26 = arith.cmpf olt, %broadcast_in_dim3A_18, %lt3A_25 : vector<8x1xf32>
    %sub3A_27 = arith.subf %broadcast_in_dim3A_18, %add3A : vector<8x1xf32>
    %jit3A_28 = arith.constant -1.000000e+24 : f32
    %broadcast_in_dim3A_29 = vector.broadcast %jit3A_28 : f32 to vector<8x1xf32>
    %select_n3A_30 = arith.select %lt3A_26, %broadcast_in_dim3A_29, %sub3A_27 : vector<8x1xi1>, vector<8x1xf32>
    %add3A_31 = arith.addf %select_n3A_30, %reshape3A : vector<8x1xf32>
    %eq3A_32 = vector.broadcast %broadcast_in_dim3A_24 : vector<8x1xi32> to vector<8x100000xi32>
    %eq3A_33 = arith.cmpi eq, %iota3A, %eq3A_32 : vector<8x100000xi32>
    %jit3A_34 = arith.constant 0xFF800000 : f32
    %broadcast_in_dim3A_35 = vector.broadcast %jit3A_34 : f32 to vector<8x100000xf32>
    %select_n3A_36 = arith.select %eq3A_33, %broadcast_in_dim3A_35, %select_n3A : vector<8x100000xi1>, vector<8x100000xf32>
    %reduce_max3A_37 = arith.constant dense<0xFF800000> : vector<8xf32>
    %reduce_max3A_38 = vector.multi_reduction <maximumf>, %select_n3A_36, %reduce_max3A_37 [1] : vector<8x100000xf32> to vector<8xf32>
    %broadcast_in_dim3A_39 = vector.shape_cast %reduce_max3A_38 : vector<8xf32> to vector<8x1xf32>
    %eq3A_40 = vector.broadcast %broadcast_in_dim3A_39 : vector<8x1xf32> to vector<8x100000xf32>
    %eq3A_41 = arith.cmpf oeq, %select_n3A_36, %eq3A_40 : vector<8x100000xf32>
    %jit3A_42 = arith.constant 2147483647 : i32
    %broadcast_in_dim3A_43 = vector.broadcast %jit3A_42 : i32 to vector<8x100000xi32>
    %select_n3A_44 = arith.select %eq3A_41, %iota3A, %broadcast_in_dim3A_43 : vector<8x100000xi1>, vector<8x100000xi32>
    %reduce_min3A_45 = arith.constant dense<2147483647> : vector<8xi32>
    %reduce_min3A_46 = vector.multi_reduction <minsi>, %select_n3A_44, %reduce_min3A_45 [1] : vector<8x100000xi32> to vector<8xi32>
    %broadcast_in_dim3A_47 = vector.shape_cast %reduce_min3A_46 : vector<8xi32> to vector<8x1xi32>
    %lt3A_48 = arith.constant -1.000000e+29 : f32
    %lt3A_49 = vector.broadcast %lt3A_48 : f32 to vector<8x1xf32>
    %lt3A_50 = arith.cmpf olt, %broadcast_in_dim3A_39, %lt3A_49 : vector<8x1xf32>
    %sub3A_51 = arith.subf %broadcast_in_dim3A_39, %add3A : vector<8x1xf32>
    %jit3A_52 = arith.constant -1.000000e+24 : f32
    %broadcast_in_dim3A_53 = vector.broadcast %jit3A_52 : f32 to vector<8x1xf32>
    %select_n3A_54 = arith.select %lt3A_50, %broadcast_in_dim3A_53, %sub3A_51 : vector<8x1xi1>, vector<8x1xf32>
    %add3A_55 = arith.addf %select_n3A_54, %reshape3A : vector<8x1xf32>
    %eq3A_56 = vector.broadcast %broadcast_in_dim3A_47 : vector<8x1xi32> to vector<8x100000xi32>
    %eq3A_57 = arith.cmpi eq, %iota3A, %eq3A_56 : vector<8x100000xi32>
    %jit3A_58 = arith.constant 0xFF800000 : f32
    %broadcast_in_dim3A_59 = vector.broadcast %jit3A_58 : f32 to vector<8x100000xf32>
    %select_n3A_60 = arith.select %eq3A_57, %broadcast_in_dim3A_59, %select_n3A_36 : vector<8x100000xi1>, vector<8x100000xf32>
    %reduce_max3A_61 = arith.constant dense<0xFF800000> : vector<8xf32>
    %reduce_max3A_62 = vector.multi_reduction <maximumf>, %select_n3A_60, %reduce_max3A_61 [1] : vector<8x100000xf32> to vector<8xf32>
    %broadcast_in_dim3A_63 = vector.shape_cast %reduce_max3A_62 : vector<8xf32> to vector<8x1xf32>
    %eq3A_64 = vector.broadcast %broadcast_in_dim3A_63 : vector<8x1xf32> to vector<8x100000xf32>
    %eq3A_65 = arith.cmpf oeq, %select_n3A_60, %eq3A_64 : vector<8x100000xf32>
    %jit3A_66 = arith.constant 2147483647 : i32
    %broadcast_in_dim3A_67 = vector.broadcast %jit3A_66 : i32 to vector<8x100000xi32>
    %select_n3A_68 = arith.select %eq3A_65, %iota3A, %broadcast_in_dim3A_67 : vector<8x100000xi1>, vector<8x100000xi32>
    %reduce_min3A_69 = arith.constant dense<2147483647> : vector<8xi32>
    %reduce_min3A_70 = vector.multi_reduction <minsi>, %select_n3A_68, %reduce_min3A_69 [1] : vector<8x100000xi32> to vector<8xi32>
    %broadcast_in_dim3A_71 = vector.shape_cast %reduce_min3A_70 : vector<8xi32> to vector<8x1xi32>
    %lt3A_72 = arith.constant -1.000000e+29 : f32
    %lt3A_73 = vector.broadcast %lt3A_72 : f32 to vector<8x1xf32>
    %lt3A_74 = arith.cmpf olt, %broadcast_in_dim3A_63, %lt3A_73 : vector<8x1xf32>
    %sub3A_75 = arith.subf %broadcast_in_dim3A_63, %add3A : vector<8x1xf32>
    %jit3A_76 = arith.constant -1.000000e+24 : f32
    %broadcast_in_dim3A_77 = vector.broadcast %jit3A_76 : f32 to vector<8x1xf32>
    %select_n3A_78 = arith.select %lt3A_74, %broadcast_in_dim3A_77, %sub3A_75 : vector<8x1xi1>, vector<8x1xf32>
    %add3A_79 = arith.addf %select_n3A_78, %reshape3A : vector<8x1xf32>
    %eq3A_80 = vector.broadcast %broadcast_in_dim3A_71 : vector<8x1xi32> to vector<8x100000xi32>
    %eq3A_81 = arith.cmpi eq, %iota3A, %eq3A_80 : vector<8x100000xi32>
    %jit3A_82 = arith.constant 0xFF800000 : f32
    %broadcast_in_dim3A_83 = vector.broadcast %jit3A_82 : f32 to vector<8x100000xf32>
    %select_n3A_84 = arith.select %eq3A_81, %broadcast_in_dim3A_83, %select_n3A_60 : vector<8x100000xi1>, vector<8x100000xf32>
    %reduce_max3A_85 = arith.constant dense<0xFF800000> : vector<8xf32>
    %reduce_max3A_86 = vector.multi_reduction <maximumf>, %select_n3A_84, %reduce_max3A_85 [1] : vector<8x100000xf32> to vector<8xf32>
    %broadcast_in_dim3A_87 = vector.shape_cast %reduce_max3A_86 : vector<8xf32> to vector<8x1xf32>
    %eq3A_88 = vector.broadcast %broadcast_in_dim3A_87 : vector<8x1xf32> to vector<8x100000xf32>
    %eq3A_89 = arith.cmpf oeq, %select_n3A_84, %eq3A_88 : vector<8x100000xf32>
    %jit3A_90 = arith.constant 2147483647 : i32
    %broadcast_in_dim3A_91 = vector.broadcast %jit3A_90 : i32 to vector<8x100000xi32>
    %select_n3A_92 = arith.select %eq3A_89, %iota3A, %broadcast_in_dim3A_91 : vector<8x100000xi1>, vector<8x100000xi32>
    %reduce_min3A_93 = arith.constant dense<2147483647> : vector<8xi32>
    %reduce_min3A_94 = vector.multi_reduction <minsi>, %select_n3A_92, %reduce_min3A_93 [1] : vector<8x100000xi32> to vector<8xi32>
    %broadcast_in_dim3A_95 = vector.shape_cast %reduce_min3A_94 : vector<8xi32> to vector<8x1xi32>
    %lt3A_96 = arith.constant -1.000000e+29 : f32
    %lt3A_97 = vector.broadcast %lt3A_96 : f32 to vector<8x1xf32>
    %lt3A_98 = arith.cmpf olt, %broadcast_in_dim3A_87, %lt3A_97 : vector<8x1xf32>
    %sub3A_99 = arith.subf %broadcast_in_dim3A_87, %add3A : vector<8x1xf32>
    %jit3A_100 = arith.constant -1.000000e+24 : f32
    %broadcast_in_dim3A_101 = vector.broadcast %jit3A_100 : f32 to vector<8x1xf32>
    %select_n3A_102 = arith.select %lt3A_98, %broadcast_in_dim3A_101, %sub3A_99 : vector<8x1xi1>, vector<8x1xf32>
    %add3A_103 = arith.addf %select_n3A_102, %reshape3A : vector<8x1xf32>
    %eq3A_104 = vector.broadcast %broadcast_in_dim3A_95 : vector<8x1xi32> to vector<8x100000xi32>
    %eq3A_105 = arith.cmpi eq, %iota3A, %eq3A_104 : vector<8x100000xi32>
    %jit3A_106 = arith.constant 0xFF800000 : f32
    %broadcast_in_dim3A_107 = vector.broadcast %jit3A_106 : f32 to vector<8x100000xf32>
    %select_n3A_108 = arith.select %eq3A_105, %broadcast_in_dim3A_107, %select_n3A_84 : vector<8x100000xi1>, vector<8x100000xf32>
    %reduce_max3A_109 = arith.constant dense<0xFF800000> : vector<8xf32>
    %reduce_max3A_110 = vector.multi_reduction <maximumf>, %select_n3A_108, %reduce_max3A_109 [1] : vector<8x100000xf32> to vector<8xf32>
    %broadcast_in_dim3A_111 = vector.shape_cast %reduce_max3A_110 : vector<8xf32> to vector<8x1xf32>
    %eq3A_112 = vector.broadcast %broadcast_in_dim3A_111 : vector<8x1xf32> to vector<8x100000xf32>
    %eq3A_113 = arith.cmpf oeq, %select_n3A_108, %eq3A_112 : vector<8x100000xf32>
    %jit3A_114 = arith.constant 2147483647 : i32
    %broadcast_in_dim3A_115 = vector.broadcast %jit3A_114 : i32 to vector<8x100000xi32>
    %select_n3A_116 = arith.select %eq3A_113, %iota3A, %broadcast_in_dim3A_115 : vector<8x100000xi1>, vector<8x100000xi32>
    %reduce_min3A_117 = arith.constant dense<2147483647> : vector<8xi32>
    %reduce_min3A_118 = vector.multi_reduction <minsi>, %select_n3A_116, %reduce_min3A_117 [1] : vector<8x100000xi32> to vector<8xi32>
    %broadcast_in_dim3A_119 = vector.shape_cast %reduce_min3A_118 : vector<8xi32> to vector<8x1xi32>
    %lt3A_120 = arith.constant -1.000000e+29 : f32
    %lt3A_121 = vector.broadcast %lt3A_120 : f32 to vector<8x1xf32>
    %lt3A_122 = arith.cmpf olt, %broadcast_in_dim3A_111, %lt3A_121 : vector<8x1xf32>
    %sub3A_123 = arith.subf %broadcast_in_dim3A_111, %add3A : vector<8x1xf32>
    %jit3A_124 = arith.constant -1.000000e+24 : f32
    %broadcast_in_dim3A_125 = vector.broadcast %jit3A_124 : f32 to vector<8x1xf32>
    %select_n3A_126 = arith.select %lt3A_122, %broadcast_in_dim3A_125, %sub3A_123 : vector<8x1xi1>, vector<8x1xf32>
    %add3A_127 = arith.addf %select_n3A_126, %reshape3A : vector<8x1xf32>
    %concatenate3A = tpu.concatenate %add3A_31, %add3A_55, %add3A_79, %add3A_103, %add3A_127 in 1 : vector<8x1xf32>, vector<8x1xf32>, vector<8x1xf32>, vector<8x1xf32>, vector<8x1xf32> -> vector<8x5xf32>
    %swap3A = arith.constant 0 : index
    %swap3A_128 = arith.constant 0 : index
    %swap3A_129 = vector.load %arg4[%swap3A, %swap3A_128] : memref<8x5xf32, #tpu.memory_space<vmem>>, vector<8x5xf32>
    tpu.vector_store %arg4[%swap3A, %swap3A_128], %concatenate3A {strides = array<i32>} : memref<8x5xf32, #tpu.memory_space<vmem>>, vector<8x5xf32>,
    %concatenate3A_130 = tpu.concatenate %broadcast_in_dim3A_24, %broadcast_in_dim3A_47, %broadcast_in_dim3A_71, %broadcast_in_dim3A_95, %broadcast_in_dim3A_119 in 1 : vector<8x1xi32>, vector<8x1xi32>, vector<8x1xi32>, vector<8x1xi32>, vector<8x1xi32> -> vector<8x5xi32>
    %swap3A_131 = arith.constant 0 : index
    %swap3A_132 = arith.constant 0 : index
    %swap3A_133 = vector.load %arg5[%swap3A_131, %swap3A_132] : memref<8x5xi32, #tpu.memory_space<vmem>>, vector<8x5xi32>
    tpu.vector_store %arg5[%swap3A_131, %swap3A_132], %concatenate3A_130 {strides = array<i32>} : memref<8x5xi32, #tpu.memory_space<vmem>>, vector<8x5xi32>,
    return
  }
  func.func @transform_0(%arg0: i32) -> (i32, i32) {
    %c0_i32 = arith.constant 0 : i32
    %c0_i32_0 = arith.constant 0 : i32
    return %arg0, %c0_i32 : i32, i32
  }
  func.func @transform_1(%arg0: i32) -> (i32, i32) {
    %c0_i32 = arith.constant 0 : i32
    %c0_i32_0 = arith.constant 0 : i32
    return %arg0, %c0_i32 : i32, i32
  }
  func.func @transform_2(%arg0: i32) -> (i32, i32, i32) {
    %c0_i32 = arith.constant 0 : i32
    %c0_i32_0 = arith.constant 0 : i32
    %c0_i32_1 = arith.constant 0 : i32
    return %arg0, %c0_i32, %c0_i32_0 : i32, i32, i32
  }
  func.func @transform_3(%arg0: i32) -> (i32, i32) {
    %c0_i32 = arith.constant 0 : i32
    %c0_i32_0 = arith.constant 0 : i32
    return %arg0, %c0_i32 : i32, i32
  }
  func.func @transform_4(%arg0: i32) -> (i32, i32) {
    %c0_i32 = arith.constant 0 : i32
    %c0_i32_0 = arith.constant 0 : i32
    return %arg0, %c0_i32 : i32, i32
  }
}

</mosaic_0001>

<sc_bundles>
// kernel: kernel.4.cloned.1.call-start
scs
__scs_entry_jumppad:
0x0: {  	(pc) =	sbr.rel $0x88, $3  }
0x1: {  	(tag) =	ssettag $0x0;
	lr =	simm.s32 $0x1  }
0x2: {  	[smem:$0x3F9D] =	sst lr;
	_ =	strace $0xD0000000  }
0x3: {  	_ = 	snop  }
0x4: {  	_ = 	snop  }
0x5: {  	_ = 	snop  }
0x6: {  	_ = 	snop  }
0x7: {  	_ = 	snop  }
__scs_overlays_trampoline_lowered:
0x8: {  	[smem:$0x3FAC] =	sst s0  }
0x9: {  	[smem:$0x3FAD] =	sst s1  }
0xa: {  	[smem:$0x3FAE] =	sst s2  }
0xb: {  	[smem:$0x3FAF] =	sst s3  }
0xc: {  	[smem:$0x3FB0] =	sst s4  }
0xd: {  	[smem:$0x3FB1] =	sst s5  }
0xe: {  	[smem:$0x3FB2] =	sst s6  }
0xf: {  	[smem:$0x3FB3] =	sst s7  }
0x10: {  	[smem:$0x3FB4] =	sst s8  }
0x11: {  	[smem:$0x3FB5] =	sst s9;
	s0 =	simm.s32 @!p0 $0x0  }
0x12: {  	s1 =	sld [smem:$0x3F9B];
	s0 =	simm.s32 @p0 $0x1  }
0x13: {  	[smem:$0x3FB6] =	sst s0;
	s0 =	simm.s32 @!p1 $0x0  }
0x14: {  	s2 =	sld [smem:$0x3F9A];
	s0 =	simm.s32 @p1 $0x1  }
0x15: {  	[smem:$0x3FB7] =	sst s0;
	s0 =	simm.s32 @!p2 $0x0  }
0x16: {  	s3 =	sld [smem:$0x3FDB];
	s0 =	simm.s32 @p2 $0x1  }
0x17: {  	s4 =	simm.s32 $0x1BF5;
	[smem:$0x3FB9] =	sst s0  }
0x18: {  	s0 =	sld [smem:$0x3F9C];
	_ =	swait.ge [sflag:s4], $0x0  }
0x19: {  	s7 =	sld [smem:$0x3F9D]  }
0x1a: {  	s8 =	sadd.s32 $0xFFFFE003, lr  }
0x1b: {  	s9 =	sadd.s32 $0xFFFFFEF7, lr;
	s5 =	simm.s32 $0xFFFFFFFF;
	p2 =	slt.u32 s8, $0xFFFFF086  }
0x1c: {  	p1 =	slt.u32 s9, $0xF7A;
	s5 =	simm.s32 @!p2 $0x0  }
0x1d: {  	s5 =	simm.s32 @p1 $0x1;
	p0 =	seq.s32 s7, s2  }
0x1e: {  	s7 =	smul.u32 @!p0 $0xF7A, s2;
	p2 =	seq.s32 @!p0 s5, $0x0  }
0x1f: {  	s9 =	smul.u32 $0xF7A, s1;
	s8 =	simm.s32 @!p0 $0x1BF5;
	p2 =	por !p2, p0  }
0x20: {  	[sflag:s8] =	ssyncset.s32 @!p0 $0xFFFFF086;
	s6 =	sadd.s32 @!p0 s3, s7;
	s7 =	simm.s32 @!p0 $0x108  }
0x21: {  	s3 =	sadd.s32 s3, s9;
	s6 =	sadd.s32 @!p0 $0x88, s6;
	s7 =	simm.s32 @p2 $0x1082  }
0x22: {  	[simem:s7], [sflag:s8] =	dma.local @!p0 [hbm:s6], $0xF7A  }
0x23: {  	s9 =	sor.u32 $0xD0000000, s2;
	s6 =	simm.s32 $0x108;
	_ =	swait.ge @!p0 [sflag:s8], $0x0  }
0x24: {  	s3 =	sadd.s32 $0x88, s3;
	s6 =	simm.s32 @!p1 $0x1082;
	[sflag:s4] =	ssyncset.s32 $0xFFFFF086  }
0x25: {  	[simem:s6], [sflag:s4] =	dma.local [hbm:s3], $0xF7A  }
0x26: {  	[smem:$0x3F9D] =	sst s1;
	(tag) =	ssettag s2;
	_ =	strace s9  }
0x27: {  	s1 =	sld [smem:$0x3FAD]  }
0x28: {  	s2 =	sld [smem:$0x3FAE]  }
0x29: {  	s4 =	sld [smem:$0x3FB0]  }
0x2a: {  	p0 =	seq.s32 s5, $0x0;
	s5 =	sld [smem:$0x3FB1]  }
0x2b: {  	s6 =	sld [smem:$0x3FB2]  }
0x2c: {  	s7 =	sld [smem:$0x3FB3]  }
0x2d: {  	s3 =	simm.s32 $0x108;
	s8 =	sld [smem:$0x3FB4]  }
0x2e: {  	s3 =	simm.s32 @!p0 $0x1082;
	s9 =	sld [smem:$0x3FB5]  }
0x2f: {  	lr =	sadd.s32 s0, s3;
	s0 =	sld [smem:$0x3FAC]  }
0x30: {  	s3 =	sld [smem:$0x3FAF]  }
0x31: {  	[smem:$0x3FB8] =	sst s10  }
0x32: {  	s10 =	sld [smem:$0x3FB6];
	_ =	sdelay $0x3  }
0x33: {  	p0 =	seq.s32 s10, $0x1;
	s10 =	sld [smem:$0x3FB8];
	_ =	sdelay $0x3  }
0x34: {  	[smem:$0x3FB8] =	sst s10  }
0x35: {  	s10 =	sld [smem:$0x3FB7];
	_ =	sdelay $0x3  }
0x36: {  	p1 =	seq.s32 s10, $0x1;
	s10 =	sld [smem:$0x3FB8];
	_ =	sdelay $0x3  }
0x37: {  	[smem:$0x3FB8] =	sst s10  }
0x38: {  	s10 =	sld [smem:$0x3FB9]  }
0x39: {  	_ = 	snop;
	(pc) =	sbr.ind lr, $3  }
0x3a: {  	_ = 	snop  }
0x3b: {  	_ = 	snop  }
0x3c: {  	p2 =	seq.s32 s10, $0x1;
	s10 =	sld [smem:$0x3FB8]  }
0x3d: {  	_ =	shalt  }
0x3e: {  	_ =	shalt  }
0x3f: {  	_ =	shalt  }
0x40: {  	_ =	shalt  }
0x41: {  	_ =	shalt  }
0x42: {  	_ =	shalt  }
0x43: {  	_ =	shalt  }
0x44: {  	_ =	shalt  }
0x45: {  	_ =	shalt  }
0x46: {  	_ =	shalt  }
0x47: {  	_ =	shalt  }
0x48: {  	_ =	shalt  }
0x49: {  	_ =	shalt  }
0x4a: {  	_ =	shalt  }
0x4b: {  	_ =	shalt  }
0x4c: {  	_ =	shalt  }
0x4d: {  	_ =	shalt  }
0x4e: {  	_ =	shalt  }
0x4f: {  	_ =	shalt  }
0x50: {  	_ =	shalt  }
0x51: {  	_ =	shalt  }
0x52: {  	_ =	shalt  }
0x53: {  	_ =	shalt  }
0x54: {  	_ =	shalt  }
0x55: {  	_ =	shalt  }
0x56: {  	_ =	shalt  }
0x57: {  	_ =	shalt  }
0x58: {  	_ =	shalt  }
0x59: {  	_ =	shalt  }
0x5a: {  	_ =	shalt  }
0x5b: {  	_ =	shalt  }
0x5c: {  	_ =	shalt  }
0x5d: {  	_ =	shalt  }
0x5e: {  	_ =	shalt  }
0x5f: {  	_ =	shalt  }
0x60: {  	_ =	shalt  }
0x61: {  	_ =	shalt  }
0x62: {  	_ =	shalt  }
0x63: {  	_ =	shalt  }
0x64: {  	_ =	shalt  }
0x65: {  	_ =	shalt  }
0x66: {  	_ =	shalt  }
0x67: {  	_ =	shalt  }
0x68: {  	_ =	shalt  }
0x69: {  	_ =	shalt  }
0x6a: {  	_ =	shalt  }
0x6b: {  	_ =	shalt  }
0x6c: {  	_ =	shalt  }
0x6d: {  	_ =	shalt  }
0x6e: {  	_ =	shalt  }
0x6f: {  	_ =	shalt  }
0x70: {  	_ =	shalt  }
0x71: {  	_ =	shalt  }
0x72: {  	_ =	shalt  }
0x73: {  	_ =	shalt  }
0x74: {  	_ =	shalt  }
0x75: {  	_ =	shalt  }
0x76: {  	_ =	shalt  }
0x77: {  	_ =	shalt  }
0x78: {  	_ =	shalt  }
0x79: {  	_ =	shalt  }
0x7a: {  	_ =	shalt  }
0x7b: {  	_ =	shalt  }
0x7c: {  	_ =	shalt  }
0x7d: {  	_ =	shalt  }
0x7e: {  	_ =	shalt  }
0x7f: {  	_ =	shalt  }
0x80: {  	_ =	shalt  }
0x81: {  	_ =	shalt  }
0x82: {  	_ =	shalt  }
0x83: {  	_ =	shalt  }
0x84: {  	_ =	shalt  }
0x85: {  	_ =	shalt  }
0x86: {  	_ =	shalt  }
0x87: {  	_ =	shalt  }
.Lfunc_end0:
.L_simem_size_0:
called_computation_lowered:
.L_overlay_start_0:
0x88: {  	s2 =	sld [smem:$0x3FD9]  }
0x89: {  	s3 =	sld [smem:$0x3FFE];
	_ =	sdelay $0x1  }
0x8a: {  	s1 =	srdreg.scid  }
0x8b: {  	s0 =	sand.u32 $0x1, s1  }
0x8c: {  	s16 =	sshll.u32 s0, $0xA;
	s2 =	sadd.s32 s3, s2  }
0x8d: {  	s2 =	sadd.s32 s2, s16  }
0x8e: {  	[smem:$0x3FC4] =	sst s2  }
0x8f: {  	_ = 	snop  }
0x90: {  	(tm) =	ssettm $0x1  }
0x91: {  	s17 =	sld [smem:$0x3FFB];
	_ =	sdelay $0x3  }
0x92: {  	_ =	strace s17  }
0x93: {  	s2 =	sld [smem:$0x3FFC];
	_ =	sdelay $0x3  }
0x94: {  	_ =	strace s2  }
0x95: {  	s2 =	sld [smem:$0x3FFD];
	_ =	sdelay $0x3  }
0x96: {  	_ =	strace s2  }
0x97: {  	_ =	strace $0x8FFFFFFF  }
0x98: {  	s18 =	sld [smem:$0x3FDB];
	_ =	sdelay $0x1  }
0x99: {  	s19 =	simm.s32 $_scs_section_size  }
0x9a: {  	s4 =	simm.s32 $_size__tile_overlayer_lowered;
	s5 =	simm.s32 $_tile_overlayer_lowered  }
0x9b: {  	s22 =	simm.s32 $0x1BFF;
	s21 =	sshll.u32 s5, $0x1;
	s2 =	sadd.s32 s19, s18  }
0x9c: {  	s6 =	simm.s32 $0x0;
	s20 =	sshll.u32 s4, $0x1;
	s4 =	sadd.s32 s21, s2  }
0x9d: {  	[timem:s6], [sflag:s22] =	dma.local [hbm:s4], s20  }
0x9e: {  	_ =	swait.ge [sflag:s22], s20  }
0x9f: {  	s3 =	ssub.s32 $0x0, s20;
	[sflag:s22] =	ssyncset.done $0x0  }
0xa0: {  	[sflag:s22] =	ssyncadd.s32 s3;
	_ =	sdelay $0x1  }
0xa1: {  	s23 =	simm.s32 $0x1B8B  }
0xa2: {  	_ =	swait.ge [sflag:s23], $0x1  }
0xa3: {  	[sflag:s23] =	ssyncset.done $0x0  }
0xa4: {  	s25 =	simm.s32 $0x1B8E;
	s24 =	sld [smem:$0x3FFE];
	[sflag:s23] =	ssyncadd.s32 $0xFFFFFFFF  }
0xa5: {  	s26 =	simm.s32 $execute0_lowered;
	[smem:$0x3FD2] =	sst s25  }
0xa6: {  	s4 =	sshll.u32 s26, $0x1;
	_ =	strace $0x80000046;
	[dreg:$0x1] =	wrdreg $0xFFFFFFFF  }
0xa7: {  	s28 =	simm.s32 $_size_execute0_lowered;
	s2 =	sadd.s32 s2, s4;
	[dreg:$0x0] =	wrdreg $0x0  }
0xa8: {  	s4 =	sshll.u32 s28, $0x1;
	[dreg:$0x2] =	wrdreg s2  }
0xa9: {  	[dreg:$0x3] =	wrdreg s4  }
0xaa: {  	[dreg:$0x4] =	wrdreg $0xC0  }
0xab: {  	_ =	task [dreg:s6], $0x5FFFF  }
0xac: {  	[dreg:$0x1] =	wrdreg $0xFFFFFFFF  }
0xad: {  	[dreg:$0x0] =	wrdreg $0x60  }
0xae: {  	[dreg:$0x2] =	wrdreg s24  }
0xaf: {  	[dreg:$0x3] =	wrdreg $0x9  }
0xb0: {  	_ =	task.clear_ibuf [dreg:s6], $0x4FFFF;
	_ =	strace $0x90000046  }
0xb1: {  	s29 =	simm.s32 $0x9;
	_ =	strace $0x80000048  }
0xb2: {  	_ =	swait.ge [sflag:s29], $0x1  }
0xb3: {  	[sflag:s29] =	ssyncadd.s32 $0xFFFFFFFF  }
0xb4: {  	_ =	strace $0x90000048  }
0xb5: {  	_ =	sfence  }
0xb6: {  	s30 =	sld [smem:$0x0];
	_ =	sdelay $0x2  }
0xb7: {  	s31 =	sshll.u32 s1, $0xD;
	s1 =	sshrl.u32 s1, $0x2  }
0xb8: {  	s3 =	sand.u32 $0x4000, s31;
	s1 =	sadd.s32 s1, s30  }
0xb9: {  	s0 =	sor.u32 s3, s0;
	s1 =	sshll.u32 s1, $0x11  }
0xba: {  	s0 =	sor.u32 s1, s0  }
0xbb: {  	s0 =	sadd.s32 $0x8F2B, s0  }
0xbc: {  	[sflag:s0] =	ssyncadd.remote.s32 $0x1  }
0xbd: {  	_ =	sfence.sel $0xFFFF  }
0xbe: {  	[dreg:$0x0] =	wrdreg $0xFFFFFFFF;
	(pc) =	sbr.abs _section_cstart, $3  }
0xbf: {  	[dreg:$0x1] =	wrdreg $0xFFFFFFFF  }
0xc0: {  	_ =	task.clear_ibuf [dreg:s6], $0x2FFFF;
	_ =	strace $0x9FFFFFFF  }
0xc1: {  	(tm) =	ssettm $0x7FFFFFFF  }
tec
execute0_lowered:
.L_overlay_start_1:
0x0: {  	(tag) =	ssettag $0x1  }
0x1: {  	s3 =	rddreg [dreg:$0x0]  }
0x2: {  	s0 =	rddreg [dreg:$0x1]  }
0x3: {  	s1 =	simm.s32 $0x0;
	s4 =	srdreg.scid;
	s2 =	stileid.u32  }
0x4: {  	[smem:$0x7FF] =	sst s1;
	s12 =	sadd.s32 $0xA00, s3;
	s13 =	sadd.s32 $0x187A00, s3  }
0x5: {  	s4 =	sand.u32 $0x1, s4;
	s10 =	smul.u32 $0xC3800, s2;
	s14 =	sadd.s32 $0x188200, s3  }
0x6: {  	s15 =	sshll.u32 s2, $0xA;
	s25 =	ssub.s32 $0x2, s4;
	s11 =	sshll.u32 s4, $0x9  }
0x7: {  	_ =	strace $0x80000047;
	s26 =	sshrl.u32 s25, $0x1;
	s5 =	sor.u32 s11, s10  }
0x8: {  	s28 =	sor.u32 s11, s15;
	s6 =	sor.u32 $0x80, s11;
	s17 =	sor.u32 $0x100, s11  }
0x9: {  	s11 =	sor.u32 $0x180, s11;
	s16 =	ssub.s32 s25, s26;
	s5 =	sshrl.u32 s5, $0x3  }
0xa: {  	s4 =	sshrl.u32 s28, $0x3;
	s7 =	sor.u32 s10, s6;
	s29 =	sor.u32 s15, s6  }
0xb: {  	s9 =	sor.u32 s10, s17;
	s17 =	sor.u32 s15, s17;
	s19 =	sor.u32 s10, s11  }
0xc: {  	s11 =	sor.u32 s15, s11;
	s3 =	sadd.s32 s12, s5;
	s4 =	sadd.s32 s13, s4  }
0xd: {  	s5 =	sadd.s32 s14, s5;
	s8 =	sshrl.u32 s7, $0x3;
	s7 =	sshrl.u32 s29, $0x3  }
0xe: {  	s18 =	sshrl.u32 s9, $0x3;
	s17 =	sshrl.u32 s17, $0x3;
	s30 =	sshrl.u32 s19, $0x3  }
0xf: {  	s31 =	sshrl.u32 s11, $0x3;
	s15 =	smax.u32 s16, $0x1;
	s16 =	simm.s32 $0x80  }
0x10: {  	s19 =	simm.s32 $0x18700;
	s6 =	sadd.s32 s12, s8;
	s7 =	sadd.s32 s13, s7  }
0x11: {  	s8 =	sadd.s32 s14, s8;
	s9 =	sadd.s32 s12, s18;
	s10 =	sadd.s32 s13, s17  }
0x12: {  	s11 =	sadd.s32 s14, s18;
	s12 =	sadd.s32 s12, s30;
	s13 =	sadd.s32 s13, s31  }
0x13: {  	v0 =	vimm.f32 $8.333333130e-01;
	s14 =	sadd.s32 s14, s30;
	s17 =	simm.s32 $0x400;
	s18 =	simm.s32 $0x1  }
.LBB2_1:
0x14: {  	[tilespmem:s1], [sflag:$0x1] =	stream.strided.gather [hbm4b:s3+s16], $0x18700, s17, s16, $0x38;
	[tilespmem:$0x18780] =	vst v63  }
0x15: {  	_ =	swait.ge [sflag:s18], $0x18700  }
0x16: {  	[sflag:s18] =	ssyncset.done $0x0  }
0x17: {  	[sflag:s18] =	ssyncadd.s32 $0xFFFE7900  }
0x18: {  	[tilespmem:s19], [sflag:$0x1] =	stream.linear.gather [hbm4b:s4+s1], $0x80, $0x38;
	[tilespmem:$0x18780] =	vst v63  }
0x19: {  	_ =	swait.ge [sflag:s18], $0x80  }
0x1a: {  	[sflag:s18] =	ssyncset.done $0x0  }
0x1b: {  	[sflag:s18] =	ssyncadd.s32 $0xFFFFFF80  }
0x1c: {  	v1 =	vld [tilespmem:$0x18700]  }
0x1d: {  	v2 =	vld [tilespmem:$0x18710];
	_ =	sdelay $0x6  }
0x1e: {  	v3 =	vld.idx.msk [tilespmem:v1+s1+$0x0], $0xffff  }
0x1f: {  	v4 =	vld.idx.msk [tilespmem:v2+s1+$0x0], $0xffff;
	_ =	sdelay $0x3  }
0x20: {  	vm0 =	vlt.f32 v3, $0.0e+00  }
0x21: {  	vm9 =	vlt.f32 v4, $0.0e+00;
	v5 =	vsel vm0, $0x3F99999A, v0  }
0x22: {  	v54 =	vsel vm9, $0x3F99999A, v0;
	v3 =	vmul.f32 v5, v3  }
0x23: {  	v4 =	vmul.f32 v54, v4  }
0x24: {  	[tilespmem:v1+s1+$0x0] =	vst.idx.msk $0xffff, v3  }
0x25: {  	[tilespmem:v2+s1+$0x0] =	vst.idx.msk $0xffff, v4  }
0x26: {  	[hbm4b:s5+s16] =	stream.strided.scatter [tilespmem:s1], [sflag:$0x1], $0x18700, s17, s16, $0x38;
	[tilespmem:$0x18780] =	vst v63  }
0x27: {  	_ =	swait.ge [sflag:s18], $0x18700  }
0x28: {  	[sflag:s18] =	ssyncset.done $0x0  }
0x29: {  	[sflag:s18] =	ssyncadd.s32 $0xFFFE7900  }
0x2a: {  	[tilespmem:s1], [sflag:$0x1] =	stream.strided.gather [hbm4b:s6+s16], $0x18700, s17, s16, $0x38;
	[tilespmem:$0x18780] =	vst v63  }
0x2b: {  	_ =	swait.ge [sflag:s18], $0x18700  }
0x2c: {  	[sflag:s18] =	ssyncset.done $0x0  }
0x2d: {  	[sflag:s18] =	ssyncadd.s32 $0xFFFE7900  }
0x2e: {  	[tilespmem:s19], [sflag:$0x1] =	stream.linear.gather [hbm4b:s7+s1], $0x80, $0x38;
	[tilespmem:$0x18780] =	vst v63  }
0x2f: {  	_ =	swait.ge [sflag:s18], $0x80  }
0x30: {  	[sflag:s18] =	ssyncset.done $0x0  }
0x31: {  	[sflag:s18] =	ssyncadd.s32 $0xFFFFFF80  }
0x32: {  	v1 =	vld [tilespmem:$0x18700]  }
0x33: {  	v2 =	vld [tilespmem:$0x18710];
	_ =	sdelay $0x6  }
0x34: {  	v3 =	vld.idx.msk [tilespmem:v1+s1+$0x0], $0xffff  }
0x35: {  	v55 =	vld.idx.msk [tilespmem:v2+s1+$0x0], $0xffff;
	_ =	sdelay $0x3  }
0x36: {  	vm10 =	vlt.f32 v3, $0.0e+00  }
0x37: {  	vm11 =	vlt.f32 v55, $0.0e+00;
	v56 =	vsel vm10, $0x3F99999A, v0  }
0x38: {  	v57 =	vsel vm11, $0x3F99999A, v0;
	v3 =	vmul.f32 v56, v3  }
0x39: {  	v4 =	vmul.f32 v57, v55  }
0x3a: {  	[tilespmem:v1+s1+$0x0] =	vst.idx.msk $0xffff, v3  }
0x3b: {  	[tilespmem:v2+s1+$0x0] =	vst.idx.msk $0xffff, v4  }
0x3c: {  	[hbm4b:s8+s16] =	stream.strided.scatter [tilespmem:s1], [sflag:$0x1], $0x18700, s17, s16, $0x38;
	[tilespmem:$0x18780] =	vst v63  }
0x3d: {  	_ =	swait.ge [sflag:s18], $0x18700  }
0x3e: {  	[sflag:s18] =	ssyncset.done $0x0  }
0x3f: {  	[sflag:s18] =	ssyncadd.s32 $0xFFFE7900  }
0x40: {  	[tilespmem:s1], [sflag:$0x1] =	stream.strided.gather [hbm4b:s9+s16], $0x18700, s17, s16, $0x38;
	[tilespmem:$0x18780] =	vst v63  }
0x41: {  	_ =	swait.ge [sflag:s18], $0x18700  }
0x42: {  	[sflag:s18] =	ssyncset.done $0x0  }
0x43: {  	[sflag:s18] =	ssyncadd.s32 $0xFFFE7900  }
0x44: {  	[tilespmem:s19], [sflag:$0x1] =	stream.linear.gather [hbm4b:s10+s1], $0x80, $0x38;
	[tilespmem:$0x18780] =	vst v63  }
0x45: {  	_ =	swait.ge [sflag:s18], $0x80  }
0x46: {  	[sflag:s18] =	ssyncset.done $0x0  }
0x47: {  	[sflag:s18] =	ssyncadd.s32 $0xFFFFFF80  }
0x48: {  	v1 =	vld [tilespmem:$0x18700]  }
0x49: {  	v2 =	vld [tilespmem:$0x18710];
	_ =	sdelay $0x6  }
0x4a: {  	v3 =	vld.idx.msk [tilespmem:v1+s1+$0x0], $0xffff  }
0x4b: {  	v58 =	vld.idx.msk [tilespmem:v2+s1+$0x0], $0xffff;
	_ =	sdelay $0x3  }
0x4c: {  	vm12 =	vlt.f32 v3, $0.0e+00  }
0x4d: {  	vm13 =	vlt.f32 v58, $0.0e+00;
	v59 =	vsel vm12, $0x3F99999A, v0  }
0x4e: {  	v60 =	vsel vm13, $0x3F99999A, v0;
	v3 =	vmul.f32 v59, v3  }
0x4f: {  	v4 =	vmul.f32 v60, v58  }
0x50: {  	[tilespmem:v1+s1+$0x0] =	vst.idx.msk $0xffff, v3  }
0x51: {  	[tilespmem:v2+s1+$0x0] =	vst.idx.msk $0xffff, v4  }
0x52: {  	[hbm4b:s11+s16] =	stream.strided.scatter [tilespmem:s1], [sflag:$0x1], $0x18700, s17, s16, $0x38;
	[tilespmem:$0x18780] =	vst v63  }
0x53: {  	_ =	swait.ge [sflag:s18], $0x18700  }
0x54: {  	[sflag:s18] =	ssyncset.done $0x0  }
0x55: {  	[sflag:s18] =	ssyncadd.s32 $0xFFFE7900  }
0x56: {  	[tilespmem:s1], [sflag:$0x1] =	stream.strided.gather [hbm4b:s12+s16], $0x18700, s17, s16, $0x38;
	[tilespmem:$0x18780] =	vst v63  }
0x57: {  	_ =	swait.ge [sflag:s18], $0x18700  }
0x58: {  	[sflag:s18] =	ssyncset.done $0x0  }
0x59: {  	[sflag:s18] =	ssyncadd.s32 $0xFFFE7900  }
0x5a: {  	[tilespmem:s19], [sflag:$0x1] =	stream.linear.gather [hbm4b:s13+s1], $0x80, $0x38;
	[tilespmem:$0x18780] =	vst v63  }
0x5b: {  	_ =	swait.ge [sflag:s18], $0x80  }
0x5c: {  	[sflag:s18] =	ssyncset.done $0x0  }
0x5d: {  	[sflag:s18] =	ssyncadd.s32 $0xFFFFFF80  }
0x5e: {  	v1 =	vld [tilespmem:$0x18700]  }
0x5f: {  	v2 =	vld [tilespmem:$0x18710];
	_ =	sdelay $0x6  }
0x60: {  	v3 =	vld.idx.msk [tilespmem:v1+s1+$0x0], $0xffff  }
0x61: {  	v61 =	vld.idx.msk [tilespmem:v2+s1+$0x0], $0xffff;
	_ =	sdelay $0x3  }
0x62: {  	vm14 =	vlt.f32 v3, $0.0e+00  }
0x63: {  	vm15 =	vlt.f32 v61, $0.0e+00;
	v62 =	vsel vm14, $0x3F99999A, v0  }
0x64: {  	v63 =	vsel vm15, $0x3F99999A, v0;
	v3 =	vmul.f32 v62, v3  }
0x65: {  	v4 =	vmul.f32 v63, v61  }
0x66: {  	p0 =	sne.s32 s15, $0x1;
	[tilespmem:v1+s1+$0x0] =	vst.idx.msk $0xffff, v3  }
.Ltmp0:
0x67: {  	[tilespmem:v2+s1+$0x0] =	vst.idx.msk $0xffff, v4;
	(pc) =	sbr.rel @p0 .LBB2_1-.Ltmp0, $4  }
0x68: {  	[hbm4b:s14+s16] =	stream.strided.scatter [tilespmem:s1], [sflag:$0x1], $0x18700, s17, s16, $0x38;
	[tilespmem:$0x18780] =	vst v63  }
0x69: {  	_ =	swait.ge [sflag:s18], $0x18700  }
0x6a: {  	[sflag:s18] =	ssyncset.done $0x0  }
0x6b: {  	s15 =	sadd.s32 $0xFFFFFFFF, s15;
	[sflag:s18] =	ssyncadd.s32 $0xFFFE7900  }
0x6c: {  	_ =	sfence.sel $0x180000  }
0x6d: {  	[bflag:$0x0] =	sbarrier.arrive $0xFFFF  }
0x6e: {  	p0 =	sne.s32 s2, $0x0;
	_ =	strace $0x90000047  }
0x6f: {  	s0 =	sadd.s32 @!p0 $0x100000, s0;
	[bflag:$0x2] =	sbarrier.arrive $0xFFFF  }
0x70: {  	[sflag:s0] =	ssyncadd.tile.s32 @!p0 $0x1;
	_ =	shalt  }
.Lfunc_end2:
_tile_overlayer_lowered:
.L_overlay_start_2:
0x71: {  	(tag) =	ssettag $0x2  }
0x72: {  	s0 =	rddreg [dreg:$0x0];
	s2 =	stileid.u32  }
0x73: {  	s1 =	rddreg [dreg:$0x1];
	p0 =	sne.s32 s2, $0x0  }
0x74: {  	s3 =	rddreg [dreg:$0x2];
	[bflag:$0x3] =	sbarrier.arrive $0xFFFF;
	s2 =	simm.s32 @!p0 $0x1C01  }
0x75: {  	[timem:s3], [sflag:s2] =	dma.local @!p0 [hbm:s0], s1  }
0x76: {  	s0 =	simm.s32 @!p0 $0x1  }
0x77: {  	_ =	swait.ge @!p0 [sflag:s0], s1  }
0x78: {  	s1 =	ssub.s32 @!p0 $0x0, s1;
	[sflag:s0] =	ssyncset.done @!p0 $0x0  }
0x79: {  	[sflag:s0] =	ssyncadd.s32 @!p0 s1  }
0x7a: {  	[bflag:$0x3] =	sbarrier.arrive $0xFFFF  }
0x7b: {  	_ =	shalt  }

</sc_bundles>
